<compile_context>
chip_gen: v7x
topology: tpu7x:2x2x1
jax: 0.10.2.dev20260603
libtpu: 0.0.44.dev20260713+nightly
codegen_flags: <defaults>
</compile_context>

<pallas_src>
import jax
import jax.numpy as jnp
from jax import lax
from jax.experimental import pallas as pl
from jax.experimental.pallas import tpu as pltpu
from jax.experimental.pallas import tpu_sc as plsc

VOCAB = 100000
EMBED_DIM = 64
BATCH = 4096
SEQ = 200

NC = 2
NS = 16
NW = NC * NS
B_PER_W = BATCH // NW
LANES = 16
VPR = EMBED_DIM // LANES
NBUF = 4
PD = 2


def _body(x_ref, tok_ref, pos_ref, out_ref, idx_v, pos_v,
          rows0, rows1, rows2, rows3, ob0, ob1, ob2, ob3,
          iv0, iv1, iv2, iv3, g0, g1, g2, g3, s0, s1, s2, s3):
    rows_bufs = (rows0, rows1, rows2, rows3)
    obufs = (ob0, ob1, ob2, ob3)
    ivs = (iv0, iv1, iv2, iv3)
    gsems = (g0, g1, g2, g3)
    ssems = (s0, s1, s2, s3)

    wid = lax.axis_index("s") * NC + lax.axis_index("c")
    b0 = wid * B_PER_W

    pltpu.sync_copy(x_ref.at[pl.ds(b0, B_PER_W)], idx_v)
    pltpu.sync_copy(pos_ref, pos_v)

    lane = lax.iota(jnp.int32, LANES)

    def build_idx(s, iv):
        cols = lane * 0 + s
        for k in range(B_PER_W // LANES):
            vals = plsc.load_gather(idx_v, [lane + k * LANES, cols])
            iv[pl.ds(k * LANES, LANES)] = vals

    def issue_gather(iv, rows, gsem):
        pltpu.async_copy(tok_ref.at[iv], rows, gsem)

    def drain_gather(iv, rows, gsem):
        pltpu.make_async_copy(tok_ref.at[iv], rows, gsem).wait()

    def drain_store(ob, ssem):
        pltpu.make_async_copy(
            ob.at[pl.ds(0, EMBED_DIM), pl.ds(0, B_PER_W)],
            out_ref.at[0, pl.ds(0, EMBED_DIM), pl.ds(0, B_PER_W)],
            ssem).wait()

    for b in range(PD):
        build_idx(b, ivs[b])
        issue_gather(ivs[b], rows_bufs[b], gsems[b])

    ridx = tuple(lane + d * LANES for d in range(VPR))

    def quad(t, carry):
        s4 = t * NBUF
        for b in range(NBUF):
            s = s4 + b
            rows, ob, gsem, ssem = rows_bufs[b], obufs[b], gsems[b], ssems[b]
            drain_gather(ivs[b], rows, gsem)

            j = (b + PD) % NBUF

            @pl.when(s + PD < SEQ)
            def _():
                @pl.when(s + PD >= NBUF)
                def _():
                    drain_store(obufs[j], ssems[j])
                build_idx(s + PD, ivs[j])
                issue_gather(ivs[j], rows_bufs[j], gsems[j])

            pvec = tuple(pos_v[s, pl.ds(d * LANES, LANES)] for d in range(VPR))

            @plsc.parallel_loop(0, B_PER_W)
            def _(r):
                cidx = lane * 0 + r
                for d in range(VPR):
                    v = rows[r, pl.ds(d * LANES, LANES)] + pvec[d]
                    plsc.store_scatter(ob, [ridx[d], cidx], v)

            pltpu.async_copy(
                ob.at[pl.ds(0, EMBED_DIM), pl.ds(0, B_PER_W)],
                out_ref.at[s, pl.ds(0, EMBED_DIM), pl.ds(b0, B_PER_W)],
                ssem)
        return carry

    lax.fori_loop(0, SEQ // NBUF, quad, 0)

    for b in range(NBUF):
        drain_store(obufs[b], ssems[b])


SBLK = 8


def _relayout_body(in_ref, out_ref):
    out_ref[...] = in_ref[...].reshape(SBLK, EMBED_DIM, BATCH)


def kernel(x, token_table, pos_table):
    x32 = x.astype(jnp.int32)
    pos_used = jax.lax.slice(pos_table, (0, 0), (SEQ, EMBED_DIM))
    mesh = plsc.VectorSubcoreMesh(core_axis_name="c", subcore_axis_name="s")
    k = pl.kernel(
        _body,
        mesh=mesh,
        compiler_params=pltpu.CompilerParams(use_tc_tiling_on_sc=False,
                                             needs_layout_passes=False),
        out_type=jax.ShapeDtypeStruct((SEQ, EMBED_DIM, BATCH), jnp.float32),
        scratch_types=[
            pltpu.VMEM((B_PER_W, SEQ), jnp.int32),
            pltpu.VMEM((SEQ, EMBED_DIM), jnp.float32),
        ] + [pltpu.VMEM((B_PER_W, EMBED_DIM), jnp.float32) for _ in range(NBUF)]
          + [pltpu.VMEM((EMBED_DIM, B_PER_W + 1), jnp.float32)
             for _ in range(NBUF)]
          + [pltpu.VMEM((B_PER_W,), jnp.int32) for _ in range(NBUF)]
          + [pltpu.SemaphoreType.DMA for _ in range(2 * NBUF)],
    )
    out_t = k(x32, token_table, pos_used)
    flat = out_t.reshape(SEQ * EMBED_DIM * BATCH)
    out3 = pl.pallas_call(
        _relayout_body,
        grid=(SEQ // SBLK,),
        in_specs=[pl.BlockSpec((SBLK * EMBED_DIM * BATCH,), lambda i: (i,))],
        out_specs=pl.BlockSpec((SBLK, EMBED_DIM, BATCH), lambda i: (i, 0, 0)),
        out_shape=jax.ShapeDtypeStruct((SEQ, EMBED_DIM, BATCH), jnp.float32),
    )(flat)
    return jnp.transpose(out3, (2, 0, 1))

# --- scband reference (transcript-rebuilt; emitter-appended) ---
"""Pipeline reference for scband-pre-trained-token-and-position-embedding-10290741641481 (READ-ONLY COPY).

The authoritative reference and input builder live on the scoring server;
editing this copy changes nothing except your own understanding.
"""

import jax, jax.numpy as jnp
import numpy as np

VOCAB = 100000
EMBED_DIM = 64
BATCH = 4096
SEQ = 200

def setup_inputs(seed: int = 0) -> dict:
    key = jax.random.key(seed)
    k1, k2, k3 = jax.random.split(key, 3)
    x = jax.random.randint(k1, (BATCH, SEQ), 0, VOCAB, dtype=jnp.int64)
    token_table = jax.random.normal(k2, (VOCAB, EMBED_DIM), dtype=jnp.float32) * 0.02
    pos_table = jax.random.normal(k3, (VOCAB, EMBED_DIM), dtype=jnp.float32) * 0.02
    return {"x": x, "token_table": token_table, "pos_table": pos_table}

def reference(x, token_table, pos_table):
    maxlen = x.shape[-1]
    positions = jnp.arange(0, maxlen, 1)
    pos = jnp.take(pos_table, positions, axis=0)          # [SEQ, D]
    tok = jnp.take(token_table, x, axis=0)                # [B, SEQ, D]
    out = tok + pos[None, :, :]
    return out

if __name__ == "__main__":
    import jax
    _d = setup_inputs()
    print(jax.jit(kernel)(*tuple(_d.values())))

</pallas_src>

<mosaic_0001>
#map = affine_map<(d0, d1) -> (0, 0)>
#map1 = affine_map<(d0, d1) -> (0, 0, 0)>
module attributes {stable_mosaic.version = 14 : i64} {
  func.func @_body(%arg0: i32, %arg1: i32, %arg2: memref<4096x200xi32, #tpu.memory_space<hbm>>, %arg3: memref<100000x64xf32, #tpu.memory_space<hbm>>, %arg4: memref<200x64xf32, #tpu.memory_space<hbm>>, %arg5: memref<200x64x4096xf32, #tpu.memory_space<hbm>>, %arg6: memref<128x200xi32, #tpu.memory_space<vmem>>, %arg7: memref<200x64xf32, #tpu.memory_space<vmem>>, %arg8: memref<128x64xf32, #tpu.memory_space<vmem>>, %arg9: memref<128x64xf32, #tpu.memory_space<vmem>>, %arg10: memref<128x64xf32, #tpu.memory_space<vmem>>, %arg11: memref<128x64xf32, #tpu.memory_space<vmem>>, %arg12: memref<64x129xf32, #tpu.memory_space<vmem>>, %arg13: memref<64x129xf32, #tpu.memory_space<vmem>>, %arg14: memref<64x129xf32, #tpu.memory_space<vmem>>, %arg15: memref<64x129xf32, #tpu.memory_space<vmem>>, %arg16: memref<128xi32, #tpu.memory_space<vmem>>, %arg17: memref<128xi32, #tpu.memory_space<vmem>>, %arg18: memref<128xi32, #tpu.memory_space<vmem>>, %arg19: memref<128xi32, #tpu.memory_space<vmem>>, %arg20: memref<!tpu.dma_semaphore, #tpu.memory_space<semaphore_mem>>, %arg21: memref<!tpu.dma_semaphore, #tpu.memory_space<semaphore_mem>>, %arg22: memref<!tpu.dma_semaphore, #tpu.memory_space<semaphore_mem>>, %arg23: memref<!tpu.dma_semaphore, #tpu.memory_space<semaphore_mem>>, %arg24: memref<!tpu.dma_semaphore, #tpu.memory_space<semaphore_mem>>, %arg25: memref<!tpu.dma_semaphore, #tpu.memory_space<semaphore_mem>>, %arg26: memref<!tpu.dma_semaphore, #tpu.memory_space<semaphore_mem>>, %arg27: memref<!tpu.dma_semaphore, #tpu.memory_space<semaphore_mem>>) attributes {dimension_semantics = [#tpu.dimension_semantics<core_parallel>, #tpu.dimension_semantics<subcore_parallel>], iteration_bounds = array<i64: 2, 16>, scalar_prefetch = 0 : i64, scratch_operands = 22 : i64, tpu.core_type = #tpu.core_type<sc_vector_subcore>, window_params = [{transform_indices = #map}, {transform_indices = #map}, {transform_indices = #map}, {transform_indices = #map1}]} {
    %mul3A = arith.constant 2 : i32
    %mul3A_0 = arith.muli %arg1, %mul3A : i32
    %add3A = arith.addi %mul3A_0, %arg0 : i32
    %mul3A_1 = arith.constant 128 : i32
    %mul3A_2 = arith.muli %add3A, %mul3A_1 : i32
    "tpu.region"() ({
      %run_scoped3A = tpu.sem_alloc : memref<!tpu.dma_semaphore, #tpu.memory_space<semaphore_mem>>
      %dma_start3A_190 = arith.constant 0 : i32
      %dma_start3A_191 = tpu.memref_slice %arg2[%mul3A_2, %dma_start3A_190] : memref<4096x200xi32, #tpu.memory_space<hbm>> -> memref<128x200xi32, #tpu.memory_space<hbm>>
      %dma_start3A_192 = arith.constant 0 : i32
      %dma_start3A_193 = tpu.memref_slice %arg2[%mul3A_2, %dma_start3A_192] : memref<4096x200xi32, #tpu.memory_space<hbm>> -> memref<128x200xi32, #tpu.memory_space<hbm>>
      tpu.enqueue_dma source(%dma_start3A_193 : memref<128x200xi32, #tpu.memory_space<hbm>>) target(%arg6 : memref<128x200xi32, #tpu.memory_space<vmem>>) target_semaphore(%run_scoped3A : memref<!tpu.dma_semaphore, #tpu.memory_space<semaphore_mem>>)
      %dma_wait3A_194 = arith.constant 0 : i32
      %dma_wait3A_195 = tpu.memref_slice %arg2[%mul3A_2, %dma_wait3A_194] : memref<4096x200xi32, #tpu.memory_space<hbm>> -> memref<128x200xi32, #tpu.memory_space<hbm>>
      %dma_wait3A_196 = arith.constant 0 : i32
      %dma_wait3A_197 = tpu.memref_slice %arg2[%mul3A_2, %dma_wait3A_196] : memref<4096x200xi32, #tpu.memory_space<hbm>> -> memref<128x200xi32, #tpu.memory_space<hbm>>
      tpu.wait_dma2 semaphore(%run_scoped3A : memref<!tpu.dma_semaphore, #tpu.memory_space<semaphore_mem>>) src(%dma_wait3A_197 : memref<128x200xi32, #tpu.memory_space<hbm>>) dst(%arg6 : memref<128x200xi32, #tpu.memory_space<vmem>>)
      tpu.yield
    }) : () -> ()
    "tpu.region"() ({
      %run_scoped3A = tpu.sem_alloc : memref<!tpu.dma_semaphore, #tpu.memory_space<semaphore_mem>>
      tpu.enqueue_dma source(%arg4 : memref<200x64xf32, #tpu.memory_space<hbm>>) target(%arg7 : memref<200x64xf32, #tpu.memory_space<vmem>>) target_semaphore(%run_scoped3A : memref<!tpu.dma_semaphore, #tpu.memory_space<semaphore_mem>>)
      tpu.wait_dma2 semaphore(%run_scoped3A : memref<!tpu.dma_semaphore, #tpu.memory_space<semaphore_mem>>) src(%arg4 : memref<200x64xf32, #tpu.memory_space<hbm>>) dst(%arg7 : memref<200x64xf32, #tpu.memory_space<vmem>>)
      tpu.yield
    }) : () -> ()
    %iota3A = tpu.iota {dimensions = array<i32: 0>} : vector<16xi32>
    %mul3A_3 = arith.constant 0 : i32
    %mul3A_4 = vector.broadcast %mul3A_3 : i32 to vector<16xi32>
    %mul3A_5 = arith.muli %iota3A, %mul3A_4 : vector<16xi32>
    %add3A_6 = arith.constant 0 : i32
    %add3A_7 = vector.broadcast %add3A_6 : i32 to vector<16xi32>
    %add3A_8 = arith.addi %mul3A_5, %add3A_7 : vector<16xi32>
    %add3A_9 = arith.constant 0 : i32
    %add3A_10 = vector.broadcast %add3A_9 : i32 to vector<16xi32>
    %add3A_11 = arith.addi %iota3A, %add3A_10 : vector<16xi32>
    %gather3A = tpu.vector_load_idx %arg6[%add3A_11, %add3A_8] : memref<128x200xi32, #tpu.memory_space<vmem>>[vector<16xi32>, vector<16xi32>], vector<16xi32>,
    %swap3A = arith.constant 0 : index
    %swap3A_12 = tpu.vector_load %arg16[%swap3A] {strides = array<i32>} : memref<128xi32, #tpu.memory_space<vmem>>, vector<16xi32>,
    tpu.vector_store %arg16[%swap3A], %gather3A {strides = array<i32>} : memref<128xi32, #tpu.memory_space<vmem>>, vector<16xi32>,
    %add3A_13 = arith.constant 16 : i32
    %add3A_14 = vector.broadcast %add3A_13 : i32 to vector<16xi32>
    %add3A_15 = arith.addi %iota3A, %add3A_14 : vector<16xi32>
    %gather3A_16 = tpu.vector_load_idx %arg6[%add3A_15, %add3A_8] : memref<128x200xi32, #tpu.memory_space<vmem>>[vector<16xi32>, vector<16xi32>], vector<16xi32>,
    %swap3A_17 = arith.constant 16 : index
    %swap3A_18 = tpu.vector_load %arg16[%swap3A_17] {strides = array<i32>} : memref<128xi32, #tpu.memory_space<vmem>>, vector<16xi32>,
    tpu.vector_store %arg16[%swap3A_17], %gather3A_16 {strides = array<i32>} : memref<128xi32, #tpu.memory_space<vmem>>, vector<16xi32>,
    %add3A_19 = arith.constant 32 : i32
    %add3A_20 = vector.broadcast %add3A_19 : i32 to vector<16xi32>
    %add3A_21 = arith.addi %iota3A, %add3A_20 : vector<16xi32>
    %gather3A_22 = tpu.vector_load_idx %arg6[%add3A_21, %add3A_8] : memref<128x200xi32, #tpu.memory_space<vmem>>[vector<16xi32>, vector<16xi32>], vector<16xi32>,
    %swap3A_23 = arith.constant 32 : index
    %swap3A_24 = tpu.vector_load %arg16[%swap3A_23] {strides = array<i32>} : memref<128xi32, #tpu.memory_space<vmem>>, vector<16xi32>,
    tpu.vector_store %arg16[%swap3A_23], %gather3A_22 {strides = array<i32>} : memref<128xi32, #tpu.memory_space<vmem>>, vector<16xi32>,
    %add3A_25 = arith.constant 48 : i32
    %add3A_26 = vector.broadcast %add3A_25 : i32 to vector<16xi32>
    %add3A_27 = arith.addi %iota3A, %add3A_26 : vector<16xi32>
    %gather3A_28 = tpu.vector_load_idx %arg6[%add3A_27, %add3A_8] : memref<128x200xi32, #tpu.memory_space<vmem>>[vector<16xi32>, vector<16xi32>], vector<16xi32>,
    %swap3A_29 = arith.constant 48 : index
    %swap3A_30 = tpu.vector_load %arg16[%swap3A_29] {strides = array<i32>} : memref<128xi32, #tpu.memory_space<vmem>>, vector<16xi32>,
    tpu.vector_store %arg16[%swap3A_29], %gather3A_28 {strides = array<i32>} : memref<128xi32, #tpu.memory_space<vmem>>, vector<16xi32>,
    %add3A_31 = arith.constant 64 : i32
    %add3A_32 = vector.broadcast %add3A_31 : i32 to vector<16xi32>
    %add3A_33 = arith.addi %iota3A, %add3A_32 : vector<16xi32>
    %gather3A_34 = tpu.vector_load_idx %arg6[%add3A_33, %add3A_8] : memref<128x200xi32, #tpu.memory_space<vmem>>[vector<16xi32>, vector<16xi32>], vector<16xi32>,
    %swap3A_35 = arith.constant 64 : index
    %swap3A_36 = tpu.vector_load %arg16[%swap3A_35] {strides = array<i32>} : memref<128xi32, #tpu.memory_space<vmem>>, vector<16xi32>,
    tpu.vector_store %arg16[%swap3A_35], %gather3A_34 {strides = array<i32>} : memref<128xi32, #tpu.memory_space<vmem>>, vector<16xi32>,
    %add3A_37 = arith.constant 80 : i32
    %add3A_38 = vector.broadcast %add3A_37 : i32 to vector<16xi32>
    %add3A_39 = arith.addi %iota3A, %add3A_38 : vector<16xi32>
    %gather3A_40 = tpu.vector_load_idx %arg6[%add3A_39, %add3A_8] : memref<128x200xi32, #tpu.memory_space<vmem>>[vector<16xi32>, vector<16xi32>], vector<16xi32>,
    %swap3A_41 = arith.constant 80 : index
    %swap3A_42 = tpu.vector_load %arg16[%swap3A_41] {strides = array<i32>} : memref<128xi32, #tpu.memory_space<vmem>>, vector<16xi32>,
    tpu.vector_store %arg16[%swap3A_41], %gather3A_40 {strides = array<i32>} : memref<128xi32, #tpu.memory_space<vmem>>, vector<16xi32>,
    %add3A_43 = arith.constant 96 : i32
    %add3A_44 = vector.broadcast %add3A_43 : i32 to vector<16xi32>
    %add3A_45 = arith.addi %iota3A, %add3A_44 : vector<16xi32>
    %gather3A_46 = tpu.vector_load_idx %arg6[%add3A_45, %add3A_8] : memref<128x200xi32, #tpu.memory_space<vmem>>[vector<16xi32>, vector<16xi32>], vector<16xi32>,
    %swap3A_47 = arith.constant 96 : index
    %swap3A_48 = tpu.vector_load %arg16[%swap3A_47] {strides = array<i32>} : memref<128xi32, #tpu.memory_space<vmem>>, vector<16xi32>,
    tpu.vector_store %arg16[%swap3A_47], %gather3A_46 {strides = array<i32>} : memref<128xi32, #tpu.memory_space<vmem>>, vector<16xi32>,
    %add3A_49 = arith.constant 112 : i32
    %add3A_50 = vector.broadcast %add3A_49 : i32 to vector<16xi32>
    %add3A_51 = arith.addi %iota3A, %add3A_50 : vector<16xi32>
    %gather3A_52 = tpu.vector_load_idx %arg6[%add3A_51, %add3A_8] : memref<128x200xi32, #tpu.memory_space<vmem>>[vector<16xi32>, vector<16xi32>], vector<16xi32>,
    %swap3A_53 = arith.constant 112 : index
    %swap3A_54 = tpu.vector_load %arg16[%swap3A_53] {strides = array<i32>} : memref<128xi32, #tpu.memory_space<vmem>>, vector<16xi32>,
    tpu.vector_store %arg16[%swap3A_53], %gather3A_52 {strides = array<i32>} : memref<128xi32, #tpu.memory_space<vmem>>, vector<16xi32>,
    %dma_start3A = arith.constant 0 : i32
    %dma_start3A_55 = arith.constant 0 : i32
    %dma_start3A_56 = tpu.memref_slice %arg3[%dma_start3A, %dma_start3A_55] : memref<100000x64xf32, #tpu.memory_space<hbm>> -> memref<100000x64xf32, #tpu.memory_space<hbm>>
    tpu.enqueue_indirect_dma source(%dma_start3A_56 : memref<100000x64xf32, #tpu.memory_space<hbm>>) target(%arg8 : memref<128x64xf32, #tpu.memory_space<vmem>>) offsets(%arg16 : memref<128xi32, #tpu.memory_space<vmem>>) semaphore(%arg20 : memref<!tpu.dma_semaphore, #tpu.memory_space<semaphore_mem>>)
    %mul3A_57 = arith.constant 0 : i32
    %mul3A_58 = vector.broadcast %mul3A_57 : i32 to vector<16xi32>
    %mul3A_59 = arith.muli %iota3A, %mul3A_58 : vector<16xi32>
    %add3A_60 = arith.constant 1 : i32
    %add3A_61 = vector.broadcast %add3A_60 : i32 to vector<16xi32>
    %add3A_62 = arith.addi %mul3A_59, %add3A_61 : vector<16xi32>
    %add3A_63 = arith.constant 0 : i32
    %add3A_64 = vector.broadcast %add3A_63 : i32 to vector<16xi32>
    %add3A_65 = arith.addi %iota3A, %add3A_64 : vector<16xi32>
    %gather3A_66 = tpu.vector_load_idx %arg6[%add3A_65, %add3A_62] : memref<128x200xi32, #tpu.memory_space<vmem>>[vector<16xi32>, vector<16xi32>], vector<16xi32>,
    %swap3A_67 = arith.constant 0 : index
    %swap3A_68 = tpu.vector_load %arg17[%swap3A_67] {strides = array<i32>} : memref<128xi32, #tpu.memory_space<vmem>>, vector<16xi32>,
    tpu.vector_store %arg17[%swap3A_67], %gather3A_66 {strides = array<i32>} : memref<128xi32, #tpu.memory_space<vmem>>, vector<16xi32>,
    %add3A_69 = arith.constant 16 : i32
    %add3A_70 = vector.broadcast %add3A_69 : i32 to vector<16xi32>
    %add3A_71 = arith.addi %iota3A, %add3A_70 : vector<16xi32>
    %gather3A_72 = tpu.vector_load_idx %arg6[%add3A_71, %add3A_62] : memref<128x200xi32, #tpu.memory_space<vmem>>[vector<16xi32>, vector<16xi32>], vector<16xi32>,
    %swap3A_73 = arith.constant 16 : index
    %swap3A_74 = tpu.vector_load %arg17[%swap3A_73] {strides = array<i32>} : memref<128xi32, #tpu.memory_space<vmem>>, vector<16xi32>,
    tpu.vector_store %arg17[%swap3A_73], %gather3A_72 {strides = array<i32>} : memref<128xi32, #tpu.memory_space<vmem>>, vector<16xi32>,
    %add3A_75 = arith.constant 32 : i32
    %add3A_76 = vector.broadcast %add3A_75 : i32 to vector<16xi32>
    %add3A_77 = arith.addi %iota3A, %add3A_76 : vector<16xi32>
    %gather3A_78 = tpu.vector_load_idx %arg6[%add3A_77, %add3A_62] : memref<128x200xi32, #tpu.memory_space<vmem>>[vector<16xi32>, vector<16xi32>], vector<16xi32>,
    %swap3A_79 = arith.constant 32 : index
    %swap3A_80 = tpu.vector_load %arg17[%swap3A_79] {strides = array<i32>} : memref<128xi32, #tpu.memory_space<vmem>>, vector<16xi32>,
    tpu.vector_store %arg17[%swap3A_79], %gather3A_78 {strides = array<i32>} : memref<128xi32, #tpu.memory_space<vmem>>, vector<16xi32>,
    %add3A_81 = arith.constant 48 : i32
    %add3A_82 = vector.broadcast %add3A_81 : i32 to vector<16xi32>
    %add3A_83 = arith.addi %iota3A, %add3A_82 : vector<16xi32>
    %gather3A_84 = tpu.vector_load_idx %arg6[%add3A_83, %add3A_62] : memref<128x200xi32, #tpu.memory_space<vmem>>[vector<16xi32>, vector<16xi32>], vector<16xi32>,
    %swap3A_85 = arith.constant 48 : index
    %swap3A_86 = tpu.vector_load %arg17[%swap3A_85] {strides = array<i32>} : memref<128xi32, #tpu.memory_space<vmem>>, vector<16xi32>,
    tpu.vector_store %arg17[%swap3A_85], %gather3A_84 {strides = array<i32>} : memref<128xi32, #tpu.memory_space<vmem>>, vector<16xi32>,
    %add3A_87 = arith.constant 64 : i32
    %add3A_88 = vector.broadcast %add3A_87 : i32 to vector<16xi32>
    %add3A_89 = arith.addi %iota3A, %add3A_88 : vector<16xi32>
    %gather3A_90 = tpu.vector_load_idx %arg6[%add3A_89, %add3A_62] : memref<128x200xi32, #tpu.memory_space<vmem>>[vector<16xi32>, vector<16xi32>], vector<16xi32>,
    %swap3A_91 = arith.constant 64 : index
    %swap3A_92 = tpu.vector_load %arg17[%swap3A_91] {strides = array<i32>} : memref<128xi32, #tpu.memory_space<vmem>>, vector<16xi32>,
    tpu.vector_store %arg17[%swap3A_91], %gather3A_90 {strides = array<i32>} : memref<128xi32, #tpu.memory_space<vmem>>, vector<16xi32>,
    %add3A_93 = arith.constant 80 : i32
    %add3A_94 = vector.broadcast %add3A_93 : i32 to vector<16xi32>
    %add3A_95 = arith.addi %iota3A, %add3A_94 : vector<16xi32>
    %gather3A_96 = tpu.vector_load_idx %arg6[%add3A_95, %add3A_62] : memref<128x200xi32, #tpu.memory_space<vmem>>[vector<16xi32>, vector<16xi32>], vector<16xi32>,
    %swap3A_97 = arith.constant 80 : index
    %swap3A_98 = tpu.vector_load %arg17[%swap3A_97] {strides = array<i32>} : memref<128xi32, #tpu.memory_space<vmem>>, vector<16xi32>,
    tpu.vector_store %arg17[%swap3A_97], %gather3A_96 {strides = array<i32>} : memref<128xi32, #tpu.memory_space<vmem>>, vector<16xi32>,
    %add3A_99 = arith.constant 96 : i32
    %add3A_100 = vector.broadcast %add3A_99 : i32 to vector<16xi32>
    %add3A_101 = arith.addi %iota3A, %add3A_100 : vector<16xi32>
    %gather3A_102 = tpu.vector_load_idx %arg6[%add3A_101, %add3A_62] : memref<128x200xi32, #tpu.memory_space<vmem>>[vector<16xi32>, vector<16xi32>], vector<16xi32>,
    %swap3A_103 = arith.constant 96 : index
    %swap3A_104 = tpu.vector_load %arg17[%swap3A_103] {strides = array<i32>} : memref<128xi32, #tpu.memory_space<vmem>>, vector<16xi32>,
    tpu.vector_store %arg17[%swap3A_103], %gather3A_102 {strides = array<i32>} : memref<128xi32, #tpu.memory_space<vmem>>, vector<16xi32>,
    %add3A_105 = arith.constant 112 : i32
    %add3A_106 = vector.broadcast %add3A_105 : i32 to vector<16xi32>
    %add3A_107 = arith.addi %iota3A, %add3A_106 : vector<16xi32>
    %gather3A_108 = tpu.vector_load_idx %arg6[%add3A_107, %add3A_62] : memref<128x200xi32, #tpu.memory_space<vmem>>[vector<16xi32>, vector<16xi32>], vector<16xi32>,
    %swap3A_109 = arith.constant 112 : index
    %swap3A_110 = tpu.vector_load %arg17[%swap3A_109] {strides = array<i32>} : memref<128xi32, #tpu.memory_space<vmem>>, vector<16xi32>,
    tpu.vector_store %arg17[%swap3A_109], %gather3A_108 {strides = array<i32>} : memref<128xi32, #tpu.memory_space<vmem>>, vector<16xi32>,
    %dma_start3A_111 = arith.constant 0 : i32
    %dma_start3A_112 = arith.constant 0 : i32
    %dma_start3A_113 = tpu.memref_slice %arg3[%dma_start3A_111, %dma_start3A_112] : memref<100000x64xf32, #tpu.memory_space<hbm>> -> memref<100000x64xf32, #tpu.memory_space<hbm>>
    tpu.enqueue_indirect_dma source(%dma_start3A_113 : memref<100000x64xf32, #tpu.memory_space<hbm>>) target(%arg9 : memref<128x64xf32, #tpu.memory_space<vmem>>) offsets(%arg17 : memref<128xi32, #tpu.memory_space<vmem>>) semaphore(%arg21 : memref<!tpu.dma_semaphore, #tpu.memory_space<semaphore_mem>>)
    %add3A_114 = arith.constant 0 : i32
    %add3A_115 = vector.broadcast %add3A_114 : i32 to vector<16xi32>
    %add3A_116 = arith.addi %iota3A, %add3A_115 : vector<16xi32>
    %add3A_117 = arith.constant 16 : i32
    %add3A_118 = vector.broadcast %add3A_117 : i32 to vector<16xi32>
    %add3A_119 = arith.addi %iota3A, %add3A_118 : vector<16xi32>
    %add3A_120 = arith.constant 32 : i32
    %add3A_121 = vector.broadcast %add3A_120 : i32 to vector<16xi32>
    %add3A_122 = arith.addi %iota3A, %add3A_121 : vector<16xi32>
    %add3A_123 = arith.constant 48 : i32
    %add3A_124 = vector.broadcast %add3A_123 : i32 to vector<16xi32>
    %add3A_125 = arith.addi %iota3A, %add3A_124 : vector<16xi32>
    %scan3A = arith.constant 0 : i32
    %scan3A_126 = arith.constant 0 : i32
    %scan3A_127 = arith.constant 50 : i32
    %scan3A_128 = arith.addi %scan3A_126, %scan3A_127 : i32
    %scan3A_129 = arith.constant 1 : i32
    scf.for %scan3A_190 = %scan3A_126 to %scan3A_128 step %scan3A_129  : i32 {
      %mul3A_191 = arith.constant 4 : i32
      %mul3A_192 = arith.muli %scan3A_190, %mul3A_191 : i32
      %add3A_193 = arith.constant 0 : i32
      %add3A_194 = arith.addi %mul3A_192, %add3A_193 : i32
      %dma_wait3A_195 = arith.constant 0 : i32
      %dma_wait3A_196 = arith.constant 0 : i32
      %dma_wait3A_197 = tpu.memref_slice %arg3[%dma_wait3A_195, %dma_wait3A_196] : memref<100000x64xf32, #tpu.memory_space<hbm>> -> memref<100000x64xf32, #tpu.memory_space<hbm>>
      tpu.wait_indirect_dma semaphore(%arg20 : memref<!tpu.dma_semaphore, #tpu.memory_space<semaphore_mem>>) src(%dma_wait3A_197 : memref<100000x64xf32, #tpu.memory_space<hbm>>) dst(%arg8 : memref<128x64xf32, #tpu.memory_space<vmem>>)
      %add3A_198 = arith.constant 2 : i32
      %add3A_199 = arith.addi %add3A_194, %add3A_198 : i32
      %lt3A = arith.constant 200 : i32
      %lt3A_200 = arith.cmpi slt, %add3A_199, %lt3A : i32
      %convert_element_type3A = arith.extui %lt3A_200 : i1 to i32
      %cond3A = arith.constant 0 : i32
      %cond3A_201 = arith.cmpi ne, %convert_element_type3A, %cond3A : i32
      scf.if %cond3A_201 {
        %add3A_344 = arith.constant 2 : i32
        %add3A_345 = arith.addi %add3A_194, %add3A_344 : i32
        %ge3A = arith.constant 4 : i32
        %ge3A_346 = arith.cmpi sge, %add3A_345, %ge3A : i32
        %convert_element_type3A_347 = arith.extui %ge3A_346 : i1 to i32
        %cond3A_348 = arith.constant 0 : i32
        %cond3A_349 = arith.cmpi ne, %convert_element_type3A_347, %cond3A_348 : i32
        scf.if %cond3A_349 {
          %dma_wait3A_408 = arith.constant 0 : i32
          %dma_wait3A_409 = arith.constant 0 : i32
          %dma_wait3A_410 = arith.constant 0 : i32
          %dma_wait3A_411 = tpu.memref_slice %arg14[%dma_wait3A_409, %dma_wait3A_410] : memref<64x129xf32, #tpu.memory_space<vmem>> -> memref<64x128xf32, #tpu.memory_space<vmem>>
          %dma_wait3A_412 = arith.constant 0 : i32
          %dma_wait3A_413 = arith.constant 0 : i32
          %dma_wait3A_414 = tpu.memref_slice %arg5[%dma_wait3A_408, %dma_wait3A_412, %dma_wait3A_413] : memref<200x64x4096xf32, #tpu.memory_space<hbm>> -> memref<1x64x128xf32, #tpu.memory_space<hbm>>
          %dma_wait3A_415 = tpu.memref_squeeze %dma_wait3A_414 : memref<1x64x128xf32, #tpu.memory_space<hbm>> -> memref<64x128xf32, #tpu.memory_space<hbm>>
          %dma_wait3A_416 = arith.constant 0 : i32
          %dma_wait3A_417 = arith.constant 0 : i32
          %dma_wait3A_418 = tpu.memref_slice %arg5[%dma_wait3A_408, %dma_wait3A_416, %dma_wait3A_417] : memref<200x64x4096xf32, #tpu.memory_space<hbm>> -> memref<1x64x128xf32, #tpu.memory_space<hbm>>
          %dma_wait3A_419 = tpu.memref_squeeze %dma_wait3A_418 : memref<1x64x128xf32, #tpu.memory_space<hbm>> -> memref<64x128xf32, #tpu.memory_space<hbm>>
          %dma_wait3A_420 = arith.constant 0 : i32
          %dma_wait3A_421 = arith.constant 0 : i32
          %dma_wait3A_422 = tpu.memref_slice %arg14[%dma_wait3A_420, %dma_wait3A_421] : memref<64x129xf32, #tpu.memory_space<vmem>> -> memref<64x128xf32, #tpu.memory_space<vmem>>
          tpu.wait_dma2 semaphore(%arg26 : memref<!tpu.dma_semaphore, #tpu.memory_space<semaphore_mem>>) src(%dma_wait3A_422 : memref<64x128xf32, #tpu.memory_space<vmem>>) dst(%dma_wait3A_419 : memref<64x128xf32, #tpu.memory_space<hbm>>)
        } else {
        }
        %add3A_350 = arith.constant 2 : i32
        %add3A_351 = arith.addi %add3A_194, %add3A_350 : i32
        %mul3A_352 = arith.constant 0 : i32
        %mul3A_353 = vector.broadcast %mul3A_352 : i32 to vector<16xi32>
        %mul3A_354 = arith.muli %iota3A, %mul3A_353 : vector<16xi32>
        %add3A_355 = vector.broadcast %add3A_351 : i32 to vector<16xi32>
        %add3A_356 = arith.addi %mul3A_354, %add3A_355 : vector<16xi32>
        %add3A_357 = arith.constant 0 : i32
        %add3A_358 = vector.broadcast %add3A_357 : i32 to vector<16xi32>
        %add3A_359 = arith.addi %iota3A, %add3A_358 : vector<16xi32>
        %gather3A_360 = tpu.vector_load_idx %arg6[%add3A_359, %add3A_356] : memref<128x200xi32, #tpu.memory_space<vmem>>[vector<16xi32>, vector<16xi32>], vector<16xi32>,
        %swap3A_361 = arith.constant 0 : index
        %swap3A_362 = tpu.vector_load %arg18[%swap3A_361] {strides = array<i32>} : memref<128xi32, #tpu.memory_space<vmem>>, vector<16xi32>,
        tpu.vector_store %arg18[%swap3A_361], %gather3A_360 {strides = array<i32>} : memref<128xi32, #tpu.memory_space<vmem>>, vector<16xi32>,
        %add3A_363 = arith.constant 16 : i32
        %add3A_364 = vector.broadcast %add3A_363 : i32 to vector<16xi32>
        %add3A_365 = arith.addi %iota3A, %add3A_364 : vector<16xi32>
        %gather3A_366 = tpu.vector_load_idx %arg6[%add3A_365, %add3A_356] : memref<128x200xi32, #tpu.memory_space<vmem>>[vector<16xi32>, vector<16xi32>], vector<16xi32>,
        %swap3A_367 = arith.constant 16 : index
        %swap3A_368 = tpu.vector_load %arg18[%swap3A_367] {strides = array<i32>} : memref<128xi32, #tpu.memory_space<vmem>>, vector<16xi32>,
        tpu.vector_store %arg18[%swap3A_367], %gather3A_366 {strides = array<i32>} : memref<128xi32, #tpu.memory_space<vmem>>, vector<16xi32>,
        %add3A_369 = arith.constant 32 : i32
        %add3A_370 = vector.broadcast %add3A_369 : i32 to vector<16xi32>
        %add3A_371 = arith.addi %iota3A, %add3A_370 : vector<16xi32>
        %gather3A_372 = tpu.vector_load_idx %arg6[%add3A_371, %add3A_356] : memref<128x200xi32, #tpu.memory_space<vmem>>[vector<16xi32>, vector<16xi32>], vector<16xi32>,
        %swap3A_373 = arith.constant 32 : index
        %swap3A_374 = tpu.vector_load %arg18[%swap3A_373] {strides = array<i32>} : memref<128xi32, #tpu.memory_space<vmem>>, vector<16xi32>,
        tpu.vector_store %arg18[%swap3A_373], %gather3A_372 {strides = array<i32>} : memref<128xi32, #tpu.memory_space<vmem>>, vector<16xi32>,
        %add3A_375 = arith.constant 48 : i32
        %add3A_376 = vector.broadcast %add3A_375 : i32 to vector<16xi32>
        %add3A_377 = arith.addi %iota3A, %add3A_376 : vector<16xi32>
        %gather3A_378 = tpu.vector_load_idx %arg6[%add3A_377, %add3A_356] : memref<128x200xi32, #tpu.memory_space<vmem>>[vector<16xi32>, vector<16xi32>], vector<16xi32>,
        %swap3A_379 = arith.constant 48 : index
        %swap3A_380 = tpu.vector_load %arg18[%swap3A_379] {strides = array<i32>} : memref<128xi32, #tpu.memory_space<vmem>>, vector<16xi32>,
        tpu.vector_store %arg18[%swap3A_379], %gather3A_378 {strides = array<i32>} : memref<128xi32, #tpu.memory_space<vmem>>, vector<16xi32>,
        %add3A_381 = arith.constant 64 : i32
        %add3A_382 = vector.broadcast %add3A_381 : i32 to vector<16xi32>
        %add3A_383 = arith.addi %iota3A, %add3A_382 : vector<16xi32>
        %gather3A_384 = tpu.vector_load_idx %arg6[%add3A_383, %add3A_356] : memref<128x200xi32, #tpu.memory_space<vmem>>[vector<16xi32>, vector<16xi32>], vector<16xi32>,
        %swap3A_385 = arith.constant 64 : index
        %swap3A_386 = tpu.vector_load %arg18[%swap3A_385] {strides = array<i32>} : memref<128xi32, #tpu.memory_space<vmem>>, vector<16xi32>,
        tpu.vector_store %arg18[%swap3A_385], %gather3A_384 {strides = array<i32>} : memref<128xi32, #tpu.memory_space<vmem>>, vector<16xi32>,
        %add3A_387 = arith.constant 80 : i32
        %add3A_388 = vector.broadcast %add3A_387 : i32 to vector<16xi32>
        %add3A_389 = arith.addi %iota3A, %add3A_388 : vector<16xi32>
        %gather3A_390 = tpu.vector_load_idx %arg6[%add3A_389, %add3A_356] : memref<128x200xi32, #tpu.memory_space<vmem>>[vector<16xi32>, vector<16xi32>], vector<16xi32>,
        %swap3A_391 = arith.constant 80 : index
        %swap3A_392 = tpu.vector_load %arg18[%swap3A_391] {strides = array<i32>} : memref<128xi32, #tpu.memory_space<vmem>>, vector<16xi32>,
        tpu.vector_store %arg18[%swap3A_391], %gather3A_390 {strides = array<i32>} : memref<128xi32, #tpu.memory_space<vmem>>, vector<16xi32>,
        %add3A_393 = arith.constant 96 : i32
        %add3A_394 = vector.broadcast %add3A_393 : i32 to vector<16xi32>
        %add3A_395 = arith.addi %iota3A, %add3A_394 : vector<16xi32>
        %gather3A_396 = tpu.vector_load_idx %arg6[%add3A_395, %add3A_356] : memref<128x200xi32, #tpu.memory_space<vmem>>[vector<16xi32>, vector<16xi32>], vector<16xi32>,
        %swap3A_397 = arith.constant 96 : index
        %swap3A_398 = tpu.vector_load %arg18[%swap3A_397] {strides = array<i32>} : memref<128xi32, #tpu.memory_space<vmem>>, vector<16xi32>,
        tpu.vector_store %arg18[%swap3A_397], %gather3A_396 {strides = array<i32>} : memref<128xi32, #tpu.memory_space<vmem>>, vector<16xi32>,
        %add3A_399 = arith.constant 112 : i32
        %add3A_400 = vector.broadcast %add3A_399 : i32 to vector<16xi32>
        %add3A_401 = arith.addi %iota3A, %add3A_400 : vector<16xi32>
        %gather3A_402 = tpu.vector_load_idx %arg6[%add3A_401, %add3A_356] : memref<128x200xi32, #tpu.memory_space<vmem>>[vector<16xi32>, vector<16xi32>], vector<16xi32>,
        %swap3A_403 = arith.constant 112 : index
        %swap3A_404 = tpu.vector_load %arg18[%swap3A_403] {strides = array<i32>} : memref<128xi32, #tpu.memory_space<vmem>>, vector<16xi32>,
        tpu.vector_store %arg18[%swap3A_403], %gather3A_402 {strides = array<i32>} : memref<128xi32, #tpu.memory_space<vmem>>, vector<16xi32>,
        %dma_start3A_405 = arith.constant 0 : i32
        %dma_start3A_406 = arith.constant 0 : i32
        %dma_start3A_407 = tpu.memref_slice %arg3[%dma_start3A_405, %dma_start3A_406] : memref<100000x64xf32, #tpu.memory_space<hbm>> -> memref<100000x64xf32, #tpu.memory_space<hbm>>
        tpu.enqueue_indirect_dma source(%dma_start3A_407 : memref<100000x64xf32, #tpu.memory_space<hbm>>) target(%arg10 : memref<128x64xf32, #tpu.memory_space<vmem>>) offsets(%arg18 : memref<128xi32, #tpu.memory_space<vmem>>) semaphore(%arg22 : memref<!tpu.dma_semaphore, #tpu.memory_space<semaphore_mem>>)
      } else {
      }
      %get3A = arith.index_cast %add3A_194 : i32 to index
      %get3A_202 = arith.constant 0 : index
      %get3A_203 = tpu.vector_load %arg7[%get3A, %get3A_202] {strides = array<i32>} : memref<200x64xf32, #tpu.memory_space<vmem>>, vector<16xf32>,
      %get3A_204 = arith.index_cast %add3A_194 : i32 to index
      %get3A_205 = arith.constant 16 : index
      %get3A_206 = tpu.vector_load %arg7[%get3A_204, %get3A_205] {strides = array<i32>} : memref<200x64xf32, #tpu.memory_space<vmem>>, vector<16xf32>,
      %get3A_207 = arith.index_cast %add3A_194 : i32 to index
      %get3A_208 = arith.constant 32 : index
      %get3A_209 = tpu.vector_load %arg7[%get3A_207, %get3A_208] {strides = array<i32>} : memref<200x64xf32, #tpu.memory_space<vmem>>, vector<16xf32>,
      %get3A_210 = arith.index_cast %add3A_194 : i32 to index
      %get3A_211 = arith.constant 48 : index
      %get3A_212 = tpu.vector_load %arg7[%get3A_210, %get3A_211] {strides = array<i32>} : memref<200x64xf32, #tpu.memory_space<vmem>>, vector<16xf32>,
      %parallel_loop3A = arith.constant 0 : i32
      %parallel_loop3A_213 = arith.constant 128 : i32
      %parallel_loop3A_214 = arith.constant 1 : i32
      scf.for %parallel_loop3A_344 = %parallel_loop3A to %parallel_loop3A_213 step %parallel_loop3A_214  : i32 {
        %parallel_loop3A_345 = arith.constant 0 : i32
        %parallel_loop3A_346 = vector.broadcast %parallel_loop3A_345 : i32 to vector<16xi32>
        %parallel_loop3A_347 = arith.muli %iota3A, %parallel_loop3A_346 : vector<16xi32>
        %parallel_loop3A_348 = vector.broadcast %parallel_loop3A_344 : i32 to vector<16xi32>
        %parallel_loop3A_349 = arith.addi %parallel_loop3A_347, %parallel_loop3A_348 : vector<16xi32>
        %parallel_loop3A_350 = arith.index_cast %parallel_loop3A_344 : i32 to index
        %parallel_loop3A_351 = arith.constant 0 : index
        %parallel_loop3A_352 = tpu.vector_load %arg8[%parallel_loop3A_350, %parallel_loop3A_351] {strides = array<i32>} : memref<128x64xf32, #tpu.memory_space<vmem>>, vector<16xf32>,
        %parallel_loop3A_353 = arith.addf %parallel_loop3A_352, %get3A_203 : vector<16xf32>
        tpu.vector_store_idx %arg12[%add3A_116, %parallel_loop3A_349], %parallel_loop3A_353 : memref<64x129xf32, #tpu.memory_space<vmem>>[vector<16xi32>, vector<16xi32>], vector<16xf32>,
        %parallel_loop3A_354 = arith.index_cast %parallel_loop3A_344 : i32 to index
        %parallel_loop3A_355 = arith.constant 16 : index
        %parallel_loop3A_356 = tpu.vector_load %arg8[%parallel_loop3A_354, %parallel_loop3A_355] {strides = array<i32>} : memref<128x64xf32, #tpu.memory_space<vmem>>, vector<16xf32>,
        %parallel_loop3A_357 = arith.addf %parallel_loop3A_356, %get3A_206 : vector<16xf32>
        tpu.vector_store_idx %arg12[%add3A_119, %parallel_loop3A_349], %parallel_loop3A_357 : memref<64x129xf32, #tpu.memory_space<vmem>>[vector<16xi32>, vector<16xi32>], vector<16xf32>,
        %parallel_loop3A_358 = arith.index_cast %parallel_loop3A_344 : i32 to index
        %parallel_loop3A_359 = arith.constant 32 : index
        %parallel_loop3A_360 = tpu.vector_load %arg8[%parallel_loop3A_358, %parallel_loop3A_359] {strides = array<i32>} : memref<128x64xf32, #tpu.memory_space<vmem>>, vector<16xf32>,
        %parallel_loop3A_361 = arith.addf %parallel_loop3A_360, %get3A_209 : vector<16xf32>
        tpu.vector_store_idx %arg12[%add3A_122, %parallel_loop3A_349], %parallel_loop3A_361 : memref<64x129xf32, #tpu.memory_space<vmem>>[vector<16xi32>, vector<16xi32>], vector<16xf32>,
        %parallel_loop3A_362 = arith.index_cast %parallel_loop3A_344 : i32 to index
        %parallel_loop3A_363 = arith.constant 48 : index
        %parallel_loop3A_364 = tpu.vector_load %arg8[%parallel_loop3A_362, %parallel_loop3A_363] {strides = array<i32>} : memref<128x64xf32, #tpu.memory_space<vmem>>, vector<16xf32>,
        %parallel_loop3A_365 = arith.addf %parallel_loop3A_364, %get3A_212 : vector<16xf32>
        tpu.vector_store_idx %arg12[%add3A_125, %parallel_loop3A_349], %parallel_loop3A_365 : memref<64x129xf32, #tpu.memory_space<vmem>>[vector<16xi32>, vector<16xi32>], vector<16xf32>,
      } {sc.loop_unroll_factor = 1 : i64, sc.parallel_access}
      %dma_start3A_215 = arith.constant 0 : i32
      %dma_start3A_216 = arith.constant 0 : i32
      %dma_start3A_217 = tpu.memref_slice %arg12[%dma_start3A_215, %dma_start3A_216] : memref<64x129xf32, #tpu.memory_space<vmem>> -> memref<64x128xf32, #tpu.memory_space<vmem>>
      %dma_start3A_218 = arith.constant 0 : i32
      %dma_start3A_219 = tpu.memref_slice %arg5[%add3A_194, %dma_start3A_218, %mul3A_2] : memref<200x64x4096xf32, #tpu.memory_space<hbm>> -> memref<1x64x128xf32, #tpu.memory_space<hbm>>
      %dma_start3A_220 = tpu.memref_squeeze %dma_start3A_219 : memref<1x64x128xf32, #tpu.memory_space<hbm>> -> memref<64x128xf32, #tpu.memory_space<hbm>>
      %dma_start3A_221 = arith.constant 0 : i32
      %dma_start3A_222 = tpu.memref_slice %arg5[%add3A_194, %dma_start3A_221, %mul3A_2] : memref<200x64x4096xf32, #tpu.memory_space<hbm>> -> memref<1x64x128xf32, #tpu.memory_space<hbm>>
      %dma_start3A_223 = tpu.memref_squeeze %dma_start3A_222 : memref<1x64x128xf32, #tpu.memory_space<hbm>> -> memref<64x128xf32, #tpu.memory_space<hbm>>
      %dma_start3A_224 = arith.constant 0 : i32
      %dma_start3A_225 = arith.constant 0 : i32
      %dma_start3A_226 = tpu.memref_slice %arg12[%dma_start3A_224, %dma_start3A_225] : memref<64x129xf32, #tpu.memory_space<vmem>> -> memref<64x128xf32, #tpu.memory_space<vmem>>
      tpu.enqueue_dma source(%dma_start3A_226 : memref<64x128xf32, #tpu.memory_space<vmem>>) target(%dma_start3A_223 : memref<64x128xf32, #tpu.memory_space<hbm>>) target_semaphore(%arg24 : memref<!tpu.dma_semaphore, #tpu.memory_space<semaphore_mem>>)
      %add3A_227 = arith.constant 1 : i32
      %add3A_228 = arith.addi %mul3A_192, %add3A_227 : i32
      %dma_wait3A_229 = arith.constant 0 : i32
      %dma_wait3A_230 = arith.constant 0 : i32
      %dma_wait3A_231 = tpu.memref_slice %arg3[%dma_wait3A_229, %dma_wait3A_230] : memref<100000x64xf32, #tpu.memory_space<hbm>> -> memref<100000x64xf32, #tpu.memory_space<hbm>>
      tpu.wait_indirect_dma semaphore(%arg21 : memref<!tpu.dma_semaphore, #tpu.memory_space<semaphore_mem>>) src(%dma_wait3A_231 : memref<100000x64xf32, #tpu.memory_space<hbm>>) dst(%arg9 : memref<128x64xf32, #tpu.memory_space<vmem>>)
      %add3A_232 = arith.constant 2 : i32
      %add3A_233 = arith.addi %add3A_228, %add3A_232 : i32
      %lt3A_234 = arith.constant 200 : i32
      %lt3A_235 = arith.cmpi slt, %add3A_233, %lt3A_234 : i32
      %convert_element_type3A_236 = arith.extui %lt3A_235 : i1 to i32
      %cond3A_237 = arith.constant 0 : i32
      %cond3A_238 = arith.cmpi ne, %convert_element_type3A_236, %cond3A_237 : i32
      scf.if %cond3A_238 {
        %add3A_344 = arith.constant 2 : i32
        %add3A_345 = arith.addi %add3A_228, %add3A_344 : i32
        %ge3A = arith.constant 4 : i32
        %ge3A_346 = arith.cmpi sge, %add3A_345, %ge3A : i32
        %convert_element_type3A_347 = arith.extui %ge3A_346 : i1 to i32
        %cond3A_348 = arith.constant 0 : i32
        %cond3A_349 = arith.cmpi ne, %convert_element_type3A_347, %cond3A_348 : i32
        scf.if %cond3A_349 {
          %dma_wait3A_408 = arith.constant 0 : i32
          %dma_wait3A_409 = arith.constant 0 : i32
          %dma_wait3A_410 = arith.constant 0 : i32
          %dma_wait3A_411 = tpu.memref_slice %arg15[%dma_wait3A_409, %dma_wait3A_410] : memref<64x129xf32, #tpu.memory_space<vmem>> -> memref<64x128xf32, #tpu.memory_space<vmem>>
          %dma_wait3A_412 = arith.constant 0 : i32
          %dma_wait3A_413 = arith.constant 0 : i32
          %dma_wait3A_414 = tpu.memref_slice %arg5[%dma_wait3A_408, %dma_wait3A_412, %dma_wait3A_413] : memref<200x64x4096xf32, #tpu.memory_space<hbm>> -> memref<1x64x128xf32, #tpu.memory_space<hbm>>
          %dma_wait3A_415 = tpu.memref_squeeze %dma_wait3A_414 : memref<1x64x128xf32, #tpu.memory_space<hbm>> -> memref<64x128xf32, #tpu.memory_space<hbm>>
          %dma_wait3A_416 = arith.constant 0 : i32
          %dma_wait3A_417 = arith.constant 0 : i32
          %dma_wait3A_418 = tpu.memref_slice %arg5[%dma_wait3A_408, %dma_wait3A_416, %dma_wait3A_417] : memref<200x64x4096xf32, #tpu.memory_space<hbm>> -> memref<1x64x128xf32, #tpu.memory_space<hbm>>
          %dma_wait3A_419 = tpu.memref_squeeze %dma_wait3A_418 : memref<1x64x128xf32, #tpu.memory_space<hbm>> -> memref<64x128xf32, #tpu.memory_space<hbm>>
          %dma_wait3A_420 = arith.constant 0 : i32
          %dma_wait3A_421 = arith.constant 0 : i32
          %dma_wait3A_422 = tpu.memref_slice %arg15[%dma_wait3A_420, %dma_wait3A_421] : memref<64x129xf32, #tpu.memory_space<vmem>> -> memref<64x128xf32, #tpu.memory_space<vmem>>
          tpu.wait_dma2 semaphore(%arg27 : memref<!tpu.dma_semaphore, #tpu.memory_space<semaphore_mem>>) src(%dma_wait3A_422 : memref<64x128xf32, #tpu.memory_space<vmem>>) dst(%dma_wait3A_419 : memref<64x128xf32, #tpu.memory_space<hbm>>)
        } else {
        }
        %add3A_350 = arith.constant 2 : i32
        %add3A_351 = arith.addi %add3A_228, %add3A_350 : i32
        %mul3A_352 = arith.constant 0 : i32
        %mul3A_353 = vector.broadcast %mul3A_352 : i32 to vector<16xi32>
        %mul3A_354 = arith.muli %iota3A, %mul3A_353 : vector<16xi32>
        %add3A_355 = vector.broadcast %add3A_351 : i32 to vector<16xi32>
        %add3A_356 = arith.addi %mul3A_354, %add3A_355 : vector<16xi32>
        %add3A_357 = arith.constant 0 : i32
        %add3A_358 = vector.broadcast %add3A_357 : i32 to vector<16xi32>
        %add3A_359 = arith.addi %iota3A, %add3A_358 : vector<16xi32>
        %gather3A_360 = tpu.vector_load_idx %arg6[%add3A_359, %add3A_356] : memref<128x200xi32, #tpu.memory_space<vmem>>[vector<16xi32>, vector<16xi32>], vector<16xi32>,
        %swap3A_361 = arith.constant 0 : index
        %swap3A_362 = tpu.vector_load %arg19[%swap3A_361] {strides = array<i32>} : memref<128xi32, #tpu.memory_space<vmem>>, vector<16xi32>,
        tpu.vector_store %arg19[%swap3A_361], %gather3A_360 {strides = array<i32>} : memref<128xi32, #tpu.memory_space<vmem>>, vector<16xi32>,
        %add3A_363 = arith.constant 16 : i32
        %add3A_364 = vector.broadcast %add3A_363 : i32 to vector<16xi32>
        %add3A_365 = arith.addi %iota3A, %add3A_364 : vector<16xi32>
        %gather3A_366 = tpu.vector_load_idx %arg6[%add3A_365, %add3A_356] : memref<128x200xi32, #tpu.memory_space<vmem>>[vector<16xi32>, vector<16xi32>], vector<16xi32>,
        %swap3A_367 = arith.constant 16 : index
        %swap3A_368 = tpu.vector_load %arg19[%swap3A_367] {strides = array<i32>} : memref<128xi32, #tpu.memory_space<vmem>>, vector<16xi32>,
        tpu.vector_store %arg19[%swap3A_367], %gather3A_366 {strides = array<i32>} : memref<128xi32, #tpu.memory_space<vmem>>, vector<16xi32>,
        %add3A_369 = arith.constant 32 : i32
        %add3A_370 = vector.broadcast %add3A_369 : i32 to vector<16xi32>
        %add3A_371 = arith.addi %iota3A, %add3A_370 : vector<16xi32>
        %gather3A_372 = tpu.vector_load_idx %arg6[%add3A_371, %add3A_356] : memref<128x200xi32, #tpu.memory_space<vmem>>[vector<16xi32>, vector<16xi32>], vector<16xi32>,
        %swap3A_373 = arith.constant 32 : index
        %swap3A_374 = tpu.vector_load %arg19[%swap3A_373] {strides = array<i32>} : memref<128xi32, #tpu.memory_space<vmem>>, vector<16xi32>,
        tpu.vector_store %arg19[%swap3A_373], %gather3A_372 {strides = array<i32>} : memref<128xi32, #tpu.memory_space<vmem>>, vector<16xi32>,
        %add3A_375 = arith.constant 48 : i32
        %add3A_376 = vector.broadcast %add3A_375 : i32 to vector<16xi32>
        %add3A_377 = arith.addi %iota3A, %add3A_376 : vector<16xi32>
        %gather3A_378 = tpu.vector_load_idx %arg6[%add3A_377, %add3A_356] : memref<128x200xi32, #tpu.memory_space<vmem>>[vector<16xi32>, vector<16xi32>], vector<16xi32>,
        %swap3A_379 = arith.constant 48 : index
        %swap3A_380 = tpu.vector_load %arg19[%swap3A_379] {strides = array<i32>} : memref<128xi32, #tpu.memory_space<vmem>>, vector<16xi32>,
        tpu.vector_store %arg19[%swap3A_379], %gather3A_378 {strides = array<i32>} : memref<128xi32, #tpu.memory_space<vmem>>, vector<16xi32>,
        %add3A_381 = arith.constant 64 : i32
        %add3A_382 = vector.broadcast %add3A_381 : i32 to vector<16xi32>
        %add3A_383 = arith.addi %iota3A, %add3A_382 : vector<16xi32>
        %gather3A_384 = tpu.vector_load_idx %arg6[%add3A_383, %add3A_356] : memref<128x200xi32, #tpu.memory_space<vmem>>[vector<16xi32>, vector<16xi32>], vector<16xi32>,
        %swap3A_385 = arith.constant 64 : index
        %swap3A_386 = tpu.vector_load %arg19[%swap3A_385] {strides = array<i32>} : memref<128xi32, #tpu.memory_space<vmem>>, vector<16xi32>,
        tpu.vector_store %arg19[%swap3A_385], %gather3A_384 {strides = array<i32>} : memref<128xi32, #tpu.memory_space<vmem>>, vector<16xi32>,
        %add3A_387 = arith.constant 80 : i32
        %add3A_388 = vector.broadcast %add3A_387 : i32 to vector<16xi32>
        %add3A_389 = arith.addi %iota3A, %add3A_388 : vector<16xi32>
        %gather3A_390 = tpu.vector_load_idx %arg6[%add3A_389, %add3A_356] : memref<128x200xi32, #tpu.memory_space<vmem>>[vector<16xi32>, vector<16xi32>], vector<16xi32>,
        %swap3A_391 = arith.constant 80 : index
        %swap3A_392 = tpu.vector_load %arg19[%swap3A_391] {strides = array<i32>} : memref<128xi32, #tpu.memory_space<vmem>>, vector<16xi32>,
        tpu.vector_store %arg19[%swap3A_391], %gather3A_390 {strides = array<i32>} : memref<128xi32, #tpu.memory_space<vmem>>, vector<16xi32>,
        %add3A_393 = arith.constant 96 : i32
        %add3A_394 = vector.broadcast %add3A_393 : i32 to vector<16xi32>
        %add3A_395 = arith.addi %iota3A, %add3A_394 : vector<16xi32>
        %gather3A_396 = tpu.vector_load_idx %arg6[%add3A_395, %add3A_356] : memref<128x200xi32, #tpu.memory_space<vmem>>[vector<16xi32>, vector<16xi32>], vector<16xi32>,
        %swap3A_397 = arith.constant 96 : index
        %swap3A_398 = tpu.vector_load %arg19[%swap3A_397] {strides = array<i32>} : memref<128xi32, #tpu.memory_space<vmem>>, vector<16xi32>,
        tpu.vector_store %arg19[%swap3A_397], %gather3A_396 {strides = array<i32>} : memref<128xi32, #tpu.memory_space<vmem>>, vector<16xi32>,
        %add3A_399 = arith.constant 112 : i32
        %add3A_400 = vector.broadcast %add3A_399 : i32 to vector<16xi32>
        %add3A_401 = arith.addi %iota3A, %add3A_400 : vector<16xi32>
        %gather3A_402 = tpu.vector_load_idx %arg6[%add3A_401, %add3A_356] : memref<128x200xi32, #tpu.memory_space<vmem>>[vector<16xi32>, vector<16xi32>], vector<16xi32>,
        %swap3A_403 = arith.constant 112 : index
        %swap3A_404 = tpu.vector_load %arg19[%swap3A_403] {strides = array<i32>} : memref<128xi32, #tpu.memory_space<vmem>>, vector<16xi32>,
        tpu.vector_store %arg19[%swap3A_403], %gather3A_402 {strides = array<i32>} : memref<128xi32, #tpu.memory_space<vmem>>, vector<16xi32>,
        %dma_start3A_405 = arith.constant 0 : i32
        %dma_start3A_406 = arith.constant 0 : i32
        %dma_start3A_407 = tpu.memref_slice %arg3[%dma_start3A_405, %dma_start3A_406] : memref<100000x64xf32, #tpu.memory_space<hbm>> -> memref<100000x64xf32, #tpu.memory_space<hbm>>
        tpu.enqueue_indirect_dma source(%dma_start3A_407 : memref<100000x64xf32, #tpu.memory_space<hbm>>) target(%arg11 : memref<128x64xf32, #tpu.memory_space<vmem>>) offsets(%arg19 : memref<128xi32, #tpu.memory_space<vmem>>) semaphore(%arg23 : memref<!tpu.dma_semaphore, #tpu.memory_space<semaphore_mem>>)
      } else {
      }
      %get3A_239 = arith.index_cast %add3A_228 : i32 to index
      %get3A_240 = arith.constant 0 : index
      %get3A_241 = tpu.vector_load %arg7[%get3A_239, %get3A_240] {strides = array<i32>} : memref<200x64xf32, #tpu.memory_space<vmem>>, vector<16xf32>,
      %get3A_242 = arith.index_cast %add3A_228 : i32 to index
      %get3A_243 = arith.constant 16 : index
      %get3A_244 = tpu.vector_load %arg7[%get3A_242, %get3A_243] {strides = array<i32>} : memref<200x64xf32, #tpu.memory_space<vmem>>, vector<16xf32>,
      %get3A_245 = arith.index_cast %add3A_228 : i32 to index
      %get3A_246 = arith.constant 32 : index
      %get3A_247 = tpu.vector_load %arg7[%get3A_245, %get3A_246] {strides = array<i32>} : memref<200x64xf32, #tpu.memory_space<vmem>>, vector<16xf32>,
      %get3A_248 = arith.index_cast %add3A_228 : i32 to index
      %get3A_249 = arith.constant 48 : index
      %get3A_250 = tpu.vector_load %arg7[%get3A_248, %get3A_249] {strides = array<i32>} : memref<200x64xf32, #tpu.memory_space<vmem>>, vector<16xf32>,
      %parallel_loop3A_251 = arith.constant 0 : i32
      %parallel_loop3A_252 = arith.constant 128 : i32
      %parallel_loop3A_253 = arith.constant 1 : i32
      scf.for %parallel_loop3A_344 = %parallel_loop3A_251 to %parallel_loop3A_252 step %parallel_loop3A_253  : i32 {
        %parallel_loop3A_345 = arith.constant 0 : i32
        %parallel_loop3A_346 = vector.broadcast %parallel_loop3A_345 : i32 to vector<16xi32>
        %parallel_loop3A_347 = arith.muli %iota3A, %parallel_loop3A_346 : vector<16xi32>
        %parallel_loop3A_348 = vector.broadcast %parallel_loop3A_344 : i32 to vector<16xi32>
        %parallel_loop3A_349 = arith.addi %parallel_loop3A_347, %parallel_loop3A_348 : vector<16xi32>
        %parallel_loop3A_350 = arith.index_cast %parallel_loop3A_344 : i32 to index
        %parallel_loop3A_351 = arith.constant 0 : index
        %parallel_loop3A_352 = tpu.vector_load %arg9[%parallel_loop3A_350, %parallel_loop3A_351] {strides = array<i32>} : memref<128x64xf32, #tpu.memory_space<vmem>>, vector<16xf32>,
        %parallel_loop3A_353 = arith.addf %parallel_loop3A_352, %get3A_241 : vector<16xf32>
        tpu.vector_store_idx %arg13[%add3A_116, %parallel_loop3A_349], %parallel_loop3A_353 : memref<64x129xf32, #tpu.memory_space<vmem>>[vector<16xi32>, vector<16xi32>], vector<16xf32>,
        %parallel_loop3A_354 = arith.index_cast %parallel_loop3A_344 : i32 to index
        %parallel_loop3A_355 = arith.constant 16 : index
        %parallel_loop3A_356 = tpu.vector_load %arg9[%parallel_loop3A_354, %parallel_loop3A_355] {strides = array<i32>} : memref<128x64xf32, #tpu.memory_space<vmem>>, vector<16xf32>,
        %parallel_loop3A_357 = arith.addf %parallel_loop3A_356, %get3A_244 : vector<16xf32>
        tpu.vector_store_idx %arg13[%add3A_119, %parallel_loop3A_349], %parallel_loop3A_357 : memref<64x129xf32, #tpu.memory_space<vmem>>[vector<16xi32>, vector<16xi32>], vector<16xf32>,
        %parallel_loop3A_358 = arith.index_cast %parallel_loop3A_344 : i32 to index
        %parallel_loop3A_359 = arith.constant 32 : index
        %parallel_loop3A_360 = tpu.vector_load %arg9[%parallel_loop3A_358, %parallel_loop3A_359] {strides = array<i32>} : memref<128x64xf32, #tpu.memory_space<vmem>>, vector<16xf32>,
        %parallel_loop3A_361 = arith.addf %parallel_loop3A_360, %get3A_247 : vector<16xf32>
        tpu.vector_store_idx %arg13[%add3A_122, %parallel_loop3A_349], %parallel_loop3A_361 : memref<64x129xf32, #tpu.memory_space<vmem>>[vector<16xi32>, vector<16xi32>], vector<16xf32>,
        %parallel_loop3A_362 = arith.index_cast %parallel_loop3A_344 : i32 to index
        %parallel_loop3A_363 = arith.constant 48 : index
        %parallel_loop3A_364 = tpu.vector_load %arg9[%parallel_loop3A_362, %parallel_loop3A_363] {strides = array<i32>} : memref<128x64xf32, #tpu.memory_space<vmem>>, vector<16xf32>,
        %parallel_loop3A_365 = arith.addf %parallel_loop3A_364, %get3A_250 : vector<16xf32>
        tpu.vector_store_idx %arg13[%add3A_125, %parallel_loop3A_349], %parallel_loop3A_365 : memref<64x129xf32, #tpu.memory_space<vmem>>[vector<16xi32>, vector<16xi32>], vector<16xf32>,
      } {sc.loop_unroll_factor = 1 : i64, sc.parallel_access}
      %dma_start3A_254 = arith.constant 0 : i32
      %dma_start3A_255 = arith.constant 0 : i32
      %dma_start3A_256 = tpu.memref_slice %arg13[%dma_start3A_254, %dma_start3A_255] : memref<64x129xf32, #tpu.memory_space<vmem>> -> memref<64x128xf32, #tpu.memory_space<vmem>>
      %dma_start3A_257 = arith.constant 0 : i32
      %dma_start3A_258 = tpu.memref_slice %arg5[%add3A_228, %dma_start3A_257, %mul3A_2] : memref<200x64x4096xf32, #tpu.memory_space<hbm>> -> memref<1x64x128xf32, #tpu.memory_space<hbm>>
      %dma_start3A_259 = tpu.memref_squeeze %dma_start3A_258 : memref<1x64x128xf32, #tpu.memory_space<hbm>> -> memref<64x128xf32, #tpu.memory_space<hbm>>
      %dma_start3A_260 = arith.constant 0 : i32
      %dma_start3A_261 = tpu.memref_slice %arg5[%add3A_228, %dma_start3A_260, %mul3A_2] : memref<200x64x4096xf32, #tpu.memory_space<hbm>> -> memref<1x64x128xf32, #tpu.memory_space<hbm>>
      %dma_start3A_262 = tpu.memref_squeeze %dma_start3A_261 : memref<1x64x128xf32, #tpu.memory_space<hbm>> -> memref<64x128xf32, #tpu.memory_space<hbm>>
      %dma_start3A_263 = arith.constant 0 : i32
      %dma_start3A_264 = arith.constant 0 : i32
      %dma_start3A_265 = tpu.memref_slice %arg13[%dma_start3A_263, %dma_start3A_264] : memref<64x129xf32, #tpu.memory_space<vmem>> -> memref<64x128xf32, #tpu.memory_space<vmem>>
      tpu.enqueue_dma source(%dma_start3A_265 : memref<64x128xf32, #tpu.memory_space<vmem>>) target(%dma_start3A_262 : memref<64x128xf32, #tpu.memory_space<hbm>>) target_semaphore(%arg25 : memref<!tpu.dma_semaphore, #tpu.memory_space<semaphore_mem>>)
      %add3A_266 = arith.constant 2 : i32
      %add3A_267 = arith.addi %mul3A_192, %add3A_266 : i32
      %dma_wait3A_268 = arith.constant 0 : i32
      %dma_wait3A_269 = arith.constant 0 : i32
      %dma_wait3A_270 = tpu.memref_slice %arg3[%dma_wait3A_268, %dma_wait3A_269] : memref<100000x64xf32, #tpu.memory_space<hbm>> -> memref<100000x64xf32, #tpu.memory_space<hbm>>
      tpu.wait_indirect_dma semaphore(%arg22 : memref<!tpu.dma_semaphore, #tpu.memory_space<semaphore_mem>>) src(%dma_wait3A_270 : memref<100000x64xf32, #tpu.memory_space<hbm>>) dst(%arg10 : memref<128x64xf32, #tpu.memory_space<vmem>>)
      %add3A_271 = arith.constant 2 : i32
      %add3A_272 = arith.addi %add3A_267, %add3A_271 : i32
      %lt3A_273 = arith.constant 200 : i32
      %lt3A_274 = arith.cmpi slt, %add3A_272, %lt3A_273 : i32
      %convert_element_type3A_275 = arith.extui %lt3A_274 : i1 to i32
      %cond3A_276 = arith.constant 0 : i32
      %cond3A_277 = arith.cmpi ne, %convert_element_type3A_275, %cond3A_276 : i32
      scf.if %cond3A_277 {
        %add3A_344 = arith.constant 2 : i32
        %add3A_345 = arith.addi %add3A_267, %add3A_344 : i32
        %ge3A = arith.constant 4 : i32
        %ge3A_346 = arith.cmpi sge, %add3A_345, %ge3A : i32
        %convert_element_type3A_347 = arith.extui %ge3A_346 : i1 to i32
        %cond3A_348 = arith.constant 0 : i32
        %cond3A_349 = arith.cmpi ne, %convert_element_type3A_347, %cond3A_348 : i32
        scf.if %cond3A_349 {
          %dma_wait3A_408 = arith.constant 0 : i32
          %dma_wait3A_409 = arith.constant 0 : i32
          %dma_wait3A_410 = arith.constant 0 : i32
          %dma_wait3A_411 = tpu.memref_slice %arg12[%dma_wait3A_409, %dma_wait3A_410] : memref<64x129xf32, #tpu.memory_space<vmem>> -> memref<64x128xf32, #tpu.memory_space<vmem>>
          %dma_wait3A_412 = arith.constant 0 : i32
          %dma_wait3A_413 = arith.constant 0 : i32
          %dma_wait3A_414 = tpu.memref_slice %arg5[%dma_wait3A_408, %dma_wait3A_412, %dma_wait3A_413] : memref<200x64x4096xf32, #tpu.memory_space<hbm>> -> memref<1x64x128xf32, #tpu.memory_space<hbm>>
          %dma_wait3A_415 = tpu.memref_squeeze %dma_wait3A_414 : memref<1x64x128xf32, #tpu.memory_space<hbm>> -> memref<64x128xf32, #tpu.memory_space<hbm>>
          %dma_wait3A_416 = arith.constant 0 : i32
          %dma_wait3A_417 = arith.constant 0 : i32
          %dma_wait3A_418 = tpu.memref_slice %arg5[%dma_wait3A_408, %dma_wait3A_416, %dma_wait3A_417] : memref<200x64x4096xf32, #tpu.memory_space<hbm>> -> memref<1x64x128xf32, #tpu.memory_space<hbm>>
          %dma_wait3A_419 = tpu.memref_squeeze %dma_wait3A_418 : memref<1x64x128xf32, #tpu.memory_space<hbm>> -> memref<64x128xf32, #tpu.memory_space<hbm>>
          %dma_wait3A_420 = arith.constant 0 : i32
          %dma_wait3A_421 = arith.constant 0 : i32
          %dma_wait3A_422 = tpu.memref_slice %arg12[%dma_wait3A_420, %dma_wait3A_421] : memref<64x129xf32, #tpu.memory_space<vmem>> -> memref<64x128xf32, #tpu.memory_space<vmem>>
          tpu.wait_dma2 semaphore(%arg24 : memref<!tpu.dma_semaphore, #tpu.memory_space<semaphore_mem>>) src(%dma_wait3A_422 : memref<64x128xf32, #tpu.memory_space<vmem>>) dst(%dma_wait3A_419 : memref<64x128xf32, #tpu.memory_space<hbm>>)
        } else {
        }
        %add3A_350 = arith.constant 2 : i32
        %add3A_351 = arith.addi %add3A_267, %add3A_350 : i32
        %mul3A_352 = arith.constant 0 : i32
        %mul3A_353 = vector.broadcast %mul3A_352 : i32 to vector<16xi32>
        %mul3A_354 = arith.muli %iota3A, %mul3A_353 : vector<16xi32>
        %add3A_355 = vector.broadcast %add3A_351 : i32 to vector<16xi32>
        %add3A_356 = arith.addi %mul3A_354, %add3A_355 : vector<16xi32>
        %add3A_357 = arith.constant 0 : i32
        %add3A_358 = vector.broadcast %add3A_357 : i32 to vector<16xi32>
        %add3A_359 = arith.addi %iota3A, %add3A_358 : vector<16xi32>
        %gather3A_360 = tpu.vector_load_idx %arg6[%add3A_359, %add3A_356] : memref<128x200xi32, #tpu.memory_space<vmem>>[vector<16xi32>, vector<16xi32>], vector<16xi32>,
        %swap3A_361 = arith.constant 0 : index
        %swap3A_362 = tpu.vector_load %arg16[%swap3A_361] {strides = array<i32>} : memref<128xi32, #tpu.memory_space<vmem>>, vector<16xi32>,
        tpu.vector_store %arg16[%swap3A_361], %gather3A_360 {strides = array<i32>} : memref<128xi32, #tpu.memory_space<vmem>>, vector<16xi32>,
        %add3A_363 = arith.constant 16 : i32
        %add3A_364 = vector.broadcast %add3A_363 : i32 to vector<16xi32>
        %add3A_365 = arith.addi %iota3A, %add3A_364 : vector<16xi32>
        %gather3A_366 = tpu.vector_load_idx %arg6[%add3A_365, %add3A_356] : memref<128x200xi32, #tpu.memory_space<vmem>>[vector<16xi32>, vector<16xi32>], vector<16xi32>,
        %swap3A_367 = arith.constant 16 : index
        %swap3A_368 = tpu.vector_load %arg16[%swap3A_367] {strides = array<i32>} : memref<128xi32, #tpu.memory_space<vmem>>, vector<16xi32>,
        tpu.vector_store %arg16[%swap3A_367], %gather3A_366 {strides = array<i32>} : memref<128xi32, #tpu.memory_space<vmem>>, vector<16xi32>,
        %add3A_369 = arith.constant 32 : i32
        %add3A_370 = vector.broadcast %add3A_369 : i32 to vector<16xi32>
        %add3A_371 = arith.addi %iota3A, %add3A_370 : vector<16xi32>
        %gather3A_372 = tpu.vector_load_idx %arg6[%add3A_371, %add3A_356] : memref<128x200xi32, #tpu.memory_space<vmem>>[vector<16xi32>, vector<16xi32>], vector<16xi32>,
        %swap3A_373 = arith.constant 32 : index
        %swap3A_374 = tpu.vector_load %arg16[%swap3A_373] {strides = array<i32>} : memref<128xi32, #tpu.memory_space<vmem>>, vector<16xi32>,
        tpu.vector_store %arg16[%swap3A_373], %gather3A_372 {strides = array<i32>} : memref<128xi32, #tpu.memory_space<vmem>>, vector<16xi32>,
        %add3A_375 = arith.constant 48 : i32
        %add3A_376 = vector.broadcast %add3A_375 : i32 to vector<16xi32>
        %add3A_377 = arith.addi %iota3A, %add3A_376 : vector<16xi32>
        %gather3A_378 = tpu.vector_load_idx %arg6[%add3A_377, %add3A_356] : memref<128x200xi32, #tpu.memory_space<vmem>>[vector<16xi32>, vector<16xi32>], vector<16xi32>,
        %swap3A_379 = arith.constant 48 : index
        %swap3A_380 = tpu.vector_load %arg16[%swap3A_379] {strides = array<i32>} : memref<128xi32, #tpu.memory_space<vmem>>, vector<16xi32>,
        tpu.vector_store %arg16[%swap3A_379], %gather3A_378 {strides = array<i32>} : memref<128xi32, #tpu.memory_space<vmem>>, vector<16xi32>,
        %add3A_381 = arith.constant 64 : i32
        %add3A_382 = vector.broadcast %add3A_381 : i32 to vector<16xi32>
        %add3A_383 = arith.addi %iota3A, %add3A_382 : vector<16xi32>
        %gather3A_384 = tpu.vector_load_idx %arg6[%add3A_383, %add3A_356] : memref<128x200xi32, #tpu.memory_space<vmem>>[vector<16xi32>, vector<16xi32>], vector<16xi32>,
        %swap3A_385 = arith.constant 64 : index
        %swap3A_386 = tpu.vector_load %arg16[%swap3A_385] {strides = array<i32>} : memref<128xi32, #tpu.memory_space<vmem>>, vector<16xi32>,
        tpu.vector_store %arg16[%swap3A_385], %gather3A_384 {strides = array<i32>} : memref<128xi32, #tpu.memory_space<vmem>>, vector<16xi32>,
        %add3A_387 = arith.constant 80 : i32
        %add3A_388 = vector.broadcast %add3A_387 : i32 to vector<16xi32>
        %add3A_389 = arith.addi %iota3A, %add3A_388 : vector<16xi32>
        %gather3A_390 = tpu.vector_load_idx %arg6[%add3A_389, %add3A_356] : memref<128x200xi32, #tpu.memory_space<vmem>>[vector<16xi32>, vector<16xi32>], vector<16xi32>,
        %swap3A_391 = arith.constant 80 : index
        %swap3A_392 = tpu.vector_load %arg16[%swap3A_391] {strides = array<i32>} : memref<128xi32, #tpu.memory_space<vmem>>, vector<16xi32>,
        tpu.vector_store %arg16[%swap3A_391], %gather3A_390 {strides = array<i32>} : memref<128xi32, #tpu.memory_space<vmem>>, vector<16xi32>,
        %add3A_393 = arith.constant 96 : i32
        %add3A_394 = vector.broadcast %add3A_393 : i32 to vector<16xi32>
        %add3A_395 = arith.addi %iota3A, %add3A_394 : vector<16xi32>
        %gather3A_396 = tpu.vector_load_idx %arg6[%add3A_395, %add3A_356] : memref<128x200xi32, #tpu.memory_space<vmem>>[vector<16xi32>, vector<16xi32>], vector<16xi32>,
        %swap3A_397 = arith.constant 96 : index
        %swap3A_398 = tpu.vector_load %arg16[%swap3A_397] {strides = array<i32>} : memref<128xi32, #tpu.memory_space<vmem>>, vector<16xi32>,
        tpu.vector_store %arg16[%swap3A_397], %gather3A_396 {strides = array<i32>} : memref<128xi32, #tpu.memory_space<vmem>>, vector<16xi32>,
        %add3A_399 = arith.constant 112 : i32
        %add3A_400 = vector.broadcast %add3A_399 : i32 to vector<16xi32>
        %add3A_401 = arith.addi %iota3A, %add3A_400 : vector<16xi32>
        %gather3A_402 = tpu.vector_load_idx %arg6[%add3A_401, %add3A_356] : memref<128x200xi32, #tpu.memory_space<vmem>>[vector<16xi32>, vector<16xi32>], vector<16xi32>,
        %swap3A_403 = arith.constant 112 : index
        %swap3A_404 = tpu.vector_load %arg16[%swap3A_403] {strides = array<i32>} : memref<128xi32, #tpu.memory_space<vmem>>, vector<16xi32>,
        tpu.vector_store %arg16[%swap3A_403], %gather3A_402 {strides = array<i32>} : memref<128xi32, #tpu.memory_space<vmem>>, vector<16xi32>,
        %dma_start3A_405 = arith.constant 0 : i32
        %dma_start3A_406 = arith.constant 0 : i32
        %dma_start3A_407 = tpu.memref_slice %arg3[%dma_start3A_405, %dma_start3A_406] : memref<100000x64xf32, #tpu.memory_space<hbm>> -> memref<100000x64xf32, #tpu.memory_space<hbm>>
        tpu.enqueue_indirect_dma source(%dma_start3A_407 : memref<100000x64xf32, #tpu.memory_space<hbm>>) target(%arg8 : memref<128x64xf32, #tpu.memory_space<vmem>>) offsets(%arg16 : memref<128xi32, #tpu.memory_space<vmem>>) semaphore(%arg20 : memref<!tpu.dma_semaphore, #tpu.memory_space<semaphore_mem>>)
      } else {
      }
      %get3A_278 = arith.index_cast %add3A_267 : i32 to index
      %get3A_279 = arith.constant 0 : index
      %get3A_280 = tpu.vector_load %arg7[%get3A_278, %get3A_279] {strides = array<i32>} : memref<200x64xf32, #tpu.memory_space<vmem>>, vector<16xf32>,
      %get3A_281 = arith.index_cast %add3A_267 : i32 to index
      %get3A_282 = arith.constant 16 : index
      %get3A_283 = tpu.vector_load %arg7[%get3A_281, %get3A_282] {strides = array<i32>} : memref<200x64xf32, #tpu.memory_space<vmem>>, vector<16xf32>,
      %get3A_284 = arith.index_cast %add3A_267 : i32 to index
      %get3A_285 = arith.constant 32 : index
      %get3A_286 = tpu.vector_load %arg7[%get3A_284, %get3A_285] {strides = array<i32>} : memref<200x64xf32, #tpu.memory_space<vmem>>, vector<16xf32>,
      %get3A_287 = arith.index_cast %add3A_267 : i32 to index
      %get3A_288 = arith.constant 48 : index
      %get3A_289 = tpu.vector_load %arg7[%get3A_287, %get3A_288] {strides = array<i32>} : memref<200x64xf32, #tpu.memory_space<vmem>>, vector<16xf32>,
      %parallel_loop3A_290 = arith.constant 0 : i32
      %parallel_loop3A_291 = arith.constant 128 : i32
      %parallel_loop3A_292 = arith.constant 1 : i32
      scf.for %parallel_loop3A_344 = %parallel_loop3A_290 to %parallel_loop3A_291 step %parallel_loop3A_292  : i32 {
        %parallel_loop3A_345 = arith.constant 0 : i32
        %parallel_loop3A_346 = vector.broadcast %parallel_loop3A_345 : i32 to vector<16xi32>
        %parallel_loop3A_347 = arith.muli %iota3A, %parallel_loop3A_346 : vector<16xi32>
        %parallel_loop3A_348 = vector.broadcast %parallel_loop3A_344 : i32 to vector<16xi32>
        %parallel_loop3A_349 = arith.addi %parallel_loop3A_347, %parallel_loop3A_348 : vector<16xi32>
        %parallel_loop3A_350 = arith.index_cast %parallel_loop3A_344 : i32 to index
        %parallel_loop3A_351 = arith.constant 0 : index
        %parallel_loop3A_352 = tpu.vector_load %arg10[%parallel_loop3A_350, %parallel_loop3A_351] {strides = array<i32>} : memref<128x64xf32, #tpu.memory_space<vmem>>, vector<16xf32>,
        %parallel_loop3A_353 = arith.addf %parallel_loop3A_352, %get3A_280 : vector<16xf32>
        tpu.vector_store_idx %arg14[%add3A_116, %parallel_loop3A_349], %parallel_loop3A_353 : memref<64x129xf32, #tpu.memory_space<vmem>>[vector<16xi32>, vector<16xi32>], vector<16xf32>,
        %parallel_loop3A_354 = arith.index_cast %parallel_loop3A_344 : i32 to index
        %parallel_loop3A_355 = arith.constant 16 : index
        %parallel_loop3A_356 = tpu.vector_load %arg10[%parallel_loop3A_354, %parallel_loop3A_355] {strides = array<i32>} : memref<128x64xf32, #tpu.memory_space<vmem>>, vector<16xf32>,
        %parallel_loop3A_357 = arith.addf %parallel_loop3A_356, %get3A_283 : vector<16xf32>
        tpu.vector_store_idx %arg14[%add3A_119, %parallel_loop3A_349], %parallel_loop3A_357 : memref<64x129xf32, #tpu.memory_space<vmem>>[vector<16xi32>, vector<16xi32>], vector<16xf32>,
        %parallel_loop3A_358 = arith.index_cast %parallel_loop3A_344 : i32 to index
        %parallel_loop3A_359 = arith.constant 32 : index
        %parallel_loop3A_360 = tpu.vector_load %arg10[%parallel_loop3A_358, %parallel_loop3A_359] {strides = array<i32>} : memref<128x64xf32, #tpu.memory_space<vmem>>, vector<16xf32>,
        %parallel_loop3A_361 = arith.addf %parallel_loop3A_360, %get3A_286 : vector<16xf32>
        tpu.vector_store_idx %arg14[%add3A_122, %parallel_loop3A_349], %parallel_loop3A_361 : memref<64x129xf32, #tpu.memory_space<vmem>>[vector<16xi32>, vector<16xi32>], vector<16xf32>,
        %parallel_loop3A_362 = arith.index_cast %parallel_loop3A_344 : i32 to index
        %parallel_loop3A_363 = arith.constant 48 : index
        %parallel_loop3A_364 = tpu.vector_load %arg10[%parallel_loop3A_362, %parallel_loop3A_363] {strides = array<i32>} : memref<128x64xf32, #tpu.memory_space<vmem>>, vector<16xf32>,
        %parallel_loop3A_365 = arith.addf %parallel_loop3A_364, %get3A_289 : vector<16xf32>
        tpu.vector_store_idx %arg14[%add3A_125, %parallel_loop3A_349], %parallel_loop3A_365 : memref<64x129xf32, #tpu.memory_space<vmem>>[vector<16xi32>, vector<16xi32>], vector<16xf32>,
      } {sc.loop_unroll_factor = 1 : i64, sc.parallel_access}
      %dma_start3A_293 = arith.constant 0 : i32
      %dma_start3A_294 = arith.constant 0 : i32
      %dma_start3A_295 = tpu.memref_slice %arg14[%dma_start3A_293, %dma_start3A_294] : memref<64x129xf32, #tpu.memory_space<vmem>> -> memref<64x128xf32, #tpu.memory_space<vmem>>
      %dma_start3A_296 = arith.constant 0 : i32
      %dma_start3A_297 = tpu.memref_slice %arg5[%add3A_267, %dma_start3A_296, %mul3A_2] : memref<200x64x4096xf32, #tpu.memory_space<hbm>> -> memref<1x64x128xf32, #tpu.memory_space<hbm>>
      %dma_start3A_298 = tpu.memref_squeeze %dma_start3A_297 : memref<1x64x128xf32, #tpu.memory_space<hbm>> -> memref<64x128xf32, #tpu.memory_space<hbm>>
      %dma_start3A_299 = arith.constant 0 : i32
      %dma_start3A_300 = tpu.memref_slice %arg5[%add3A_267, %dma_start3A_299, %mul3A_2] : memref<200x64x4096xf32, #tpu.memory_space<hbm>> -> memref<1x64x128xf32, #tpu.memory_space<hbm>>
      %dma_start3A_301 = tpu.memref_squeeze %dma_start3A_300 : memref<1x64x128xf32, #tpu.memory_space<hbm>> -> memref<64x128xf32, #tpu.memory_space<hbm>>
      %dma_start3A_302 = arith.constant 0 : i32
      %dma_start3A_303 = arith.constant 0 : i32
      %dma_start3A_304 = tpu.memref_slice %arg14[%dma_start3A_302, %dma_start3A_303] : memref<64x129xf32, #tpu.memory_space<vmem>> -> memref<64x128xf32, #tpu.memory_space<vmem>>
      tpu.enqueue_dma source(%dma_start3A_304 : memref<64x128xf32, #tpu.memory_space<vmem>>) target(%dma_start3A_301 : memref<64x128xf32, #tpu.memory_space<hbm>>) target_semaphore(%arg26 : memref<!tpu.dma_semaphore, #tpu.memory_space<semaphore_mem>>)
      %add3A_305 = arith.constant 3 : i32
      %add3A_306 = arith.addi %mul3A_192, %add3A_305 : i32
      %dma_wait3A_307 = arith.constant 0 : i32
      %dma_wait3A_308 = arith.constant 0 : i32
      %dma_wait3A_309 = tpu.memref_slice %arg3[%dma_wait3A_307, %dma_wait3A_308] : memref<100000x64xf32, #tpu.memory_space<hbm>> -> memref<100000x64xf32, #tpu.memory_space<hbm>>
      tpu.wait_indirect_dma semaphore(%arg23 : memref<!tpu.dma_semaphore, #tpu.memory_space<semaphore_mem>>) src(%dma_wait3A_309 : memref<100000x64xf32, #tpu.memory_space<hbm>>) dst(%arg11 : memref<128x64xf32, #tpu.memory_space<vmem>>)
      %add3A_310 = arith.constant 2 : i32
      %add3A_311 = arith.addi %add3A_306, %add3A_310 : i32
      %lt3A_312 = arith.constant 200 : i32
      %lt3A_313 = arith.cmpi slt, %add3A_311, %lt3A_312 : i32
      %convert_element_type3A_314 = arith.extui %lt3A_313 : i1 to i32
      %cond3A_315 = arith.constant 0 : i32
      %cond3A_316 = arith.cmpi ne, %convert_element_type3A_314, %cond3A_315 : i32
      scf.if %cond3A_316 {
        %add3A_344 = arith.constant 2 : i32
        %add3A_345 = arith.addi %add3A_306, %add3A_344 : i32
        %ge3A = arith.constant 4 : i32
        %ge3A_346 = arith.cmpi sge, %add3A_345, %ge3A : i32
        %convert_element_type3A_347 = arith.extui %ge3A_346 : i1 to i32
        %cond3A_348 = arith.constant 0 : i32
        %cond3A_349 = arith.cmpi ne, %convert_element_type3A_347, %cond3A_348 : i32
        scf.if %cond3A_349 {
          %dma_wait3A_408 = arith.constant 0 : i32
          %dma_wait3A_409 = arith.constant 0 : i32
          %dma_wait3A_410 = arith.constant 0 : i32
          %dma_wait3A_411 = tpu.memref_slice %arg13[%dma_wait3A_409, %dma_wait3A_410] : memref<64x129xf32, #tpu.memory_space<vmem>> -> memref<64x128xf32, #tpu.memory_space<vmem>>
          %dma_wait3A_412 = arith.constant 0 : i32
          %dma_wait3A_413 = arith.constant 0 : i32
          %dma_wait3A_414 = tpu.memref_slice %arg5[%dma_wait3A_408, %dma_wait3A_412, %dma_wait3A_413] : memref<200x64x4096xf32, #tpu.memory_space<hbm>> -> memref<1x64x128xf32, #tpu.memory_space<hbm>>
          %dma_wait3A_415 = tpu.memref_squeeze %dma_wait3A_414 : memref<1x64x128xf32, #tpu.memory_space<hbm>> -> memref<64x128xf32, #tpu.memory_space<hbm>>
          %dma_wait3A_416 = arith.constant 0 : i32
          %dma_wait3A_417 = arith.constant 0 : i32
          %dma_wait3A_418 = tpu.memref_slice %arg5[%dma_wait3A_408, %dma_wait3A_416, %dma_wait3A_417] : memref<200x64x4096xf32, #tpu.memory_space<hbm>> -> memref<1x64x128xf32, #tpu.memory_space<hbm>>
          %dma_wait3A_419 = tpu.memref_squeeze %dma_wait3A_418 : memref<1x64x128xf32, #tpu.memory_space<hbm>> -> memref<64x128xf32, #tpu.memory_space<hbm>>
          %dma_wait3A_420 = arith.constant 0 : i32
          %dma_wait3A_421 = arith.constant 0 : i32
          %dma_wait3A_422 = tpu.memref_slice %arg13[%dma_wait3A_420, %dma_wait3A_421] : memref<64x129xf32, #tpu.memory_space<vmem>> -> memref<64x128xf32, #tpu.memory_space<vmem>>
          tpu.wait_dma2 semaphore(%arg25 : memref<!tpu.dma_semaphore, #tpu.memory_space<semaphore_mem>>) src(%dma_wait3A_422 : memref<64x128xf32, #tpu.memory_space<vmem>>) dst(%dma_wait3A_419 : memref<64x128xf32, #tpu.memory_space<hbm>>)
        } else {
        }
        %add3A_350 = arith.constant 2 : i32
        %add3A_351 = arith.addi %add3A_306, %add3A_350 : i32
        %mul3A_352 = arith.constant 0 : i32
        %mul3A_353 = vector.broadcast %mul3A_352 : i32 to vector<16xi32>
        %mul3A_354 = arith.muli %iota3A, %mul3A_353 : vector<16xi32>
        %add3A_355 = vector.broadcast %add3A_351 : i32 to vector<16xi32>
        %add3A_356 = arith.addi %mul3A_354, %add3A_355 : vector<16xi32>
        %add3A_357 = arith.constant 0 : i32
        %add3A_358 = vector.broadcast %add3A_357 : i32 to vector<16xi32>
        %add3A_359 = arith.addi %iota3A, %add3A_358 : vector<16xi32>
        %gather3A_360 = tpu.vector_load_idx %arg6[%add3A_359, %add3A_356] : memref<128x200xi32, #tpu.memory_space<vmem>>[vector<16xi32>, vector<16xi32>], vector<16xi32>,
        %swap3A_361 = arith.constant 0 : index
        %swap3A_362 = tpu.vector_load %arg17[%swap3A_361] {strides = array<i32>} : memref<128xi32, #tpu.memory_space<vmem>>, vector<16xi32>,
        tpu.vector_store %arg17[%swap3A_361], %gather3A_360 {strides = array<i32>} : memref<128xi32, #tpu.memory_space<vmem>>, vector<16xi32>,
        %add3A_363 = arith.constant 16 : i32
        %add3A_364 = vector.broadcast %add3A_363 : i32 to vector<16xi32>
        %add3A_365 = arith.addi %iota3A, %add3A_364 : vector<16xi32>
        %gather3A_366 = tpu.vector_load_idx %arg6[%add3A_365, %add3A_356] : memref<128x200xi32, #tpu.memory_space<vmem>>[vector<16xi32>, vector<16xi32>], vector<16xi32>,
        %swap3A_367 = arith.constant 16 : index
        %swap3A_368 = tpu.vector_load %arg17[%swap3A_367] {strides = array<i32>} : memref<128xi32, #tpu.memory_space<vmem>>, vector<16xi32>,
        tpu.vector_store %arg17[%swap3A_367], %gather3A_366 {strides = array<i32>} : memref<128xi32, #tpu.memory_space<vmem>>, vector<16xi32>,
        %add3A_369 = arith.constant 32 : i32
        %add3A_370 = vector.broadcast %add3A_369 : i32 to vector<16xi32>
        %add3A_371 = arith.addi %iota3A, %add3A_370 : vector<16xi32>
        %gather3A_372 = tpu.vector_load_idx %arg6[%add3A_371, %add3A_356] : memref<128x200xi32, #tpu.memory_space<vmem>>[vector<16xi32>, vector<16xi32>], vector<16xi32>,
        %swap3A_373 = arith.constant 32 : index
        %swap3A_374 = tpu.vector_load %arg17[%swap3A_373] {strides = array<i32>} : memref<128xi32, #tpu.memory_space<vmem>>, vector<16xi32>,
        tpu.vector_store %arg17[%swap3A_373], %gather3A_372 {strides = array<i32>} : memref<128xi32, #tpu.memory_space<vmem>>, vector<16xi32>,
        %add3A_375 = arith.constant 48 : i32
        %add3A_376 = vector.broadcast %add3A_375 : i32 to vector<16xi32>
        %add3A_377 = arith.addi %iota3A, %add3A_376 : vector<16xi32>
        %gather3A_378 = tpu.vector_load_idx %arg6[%add3A_377, %add3A_356] : memref<128x200xi32, #tpu.memory_space<vmem>>[vector<16xi32>, vector<16xi32>], vector<16xi32>,
        %swap3A_379 = arith.constant 48 : index
        %swap3A_380 = tpu.vector_load %arg17[%swap3A_379] {strides = array<i32>} : memref<128xi32, #tpu.memory_space<vmem>>, vector<16xi32>,
        tpu.vector_store %arg17[%swap3A_379], %gather3A_378 {strides = array<i32>} : memref<128xi32, #tpu.memory_space<vmem>>, vector<16xi32>,
        %add3A_381 = arith.constant 64 : i32
        %add3A_382 = vector.broadcast %add3A_381 : i32 to vector<16xi32>
        %add3A_383 = arith.addi %iota3A, %add3A_382 : vector<16xi32>
        %gather3A_384 = tpu.vector_load_idx %arg6[%add3A_383, %add3A_356] : memref<128x200xi32, #tpu.memory_space<vmem>>[vector<16xi32>, vector<16xi32>], vector<16xi32>,
        %swap3A_385 = arith.constant 64 : index
        %swap3A_386 = tpu.vector_load %arg17[%swap3A_385] {strides = array<i32>} : memref<128xi32, #tpu.memory_space<vmem>>, vector<16xi32>,
        tpu.vector_store %arg17[%swap3A_385], %gather3A_384 {strides = array<i32>} : memref<128xi32, #tpu.memory_space<vmem>>, vector<16xi32>,
        %add3A_387 = arith.constant 80 : i32
        %add3A_388 = vector.broadcast %add3A_387 : i32 to vector<16xi32>
        %add3A_389 = arith.addi %iota3A, %add3A_388 : vector<16xi32>
        %gather3A_390 = tpu.vector_load_idx %arg6[%add3A_389, %add3A_356] : memref<128x200xi32, #tpu.memory_space<vmem>>[vector<16xi32>, vector<16xi32>], vector<16xi32>,
        %swap3A_391 = arith.constant 80 : index
        %swap3A_392 = tpu.vector_load %arg17[%swap3A_391] {strides = array<i32>} : memref<128xi32, #tpu.memory_space<vmem>>, vector<16xi32>,
        tpu.vector_store %arg17[%swap3A_391], %gather3A_390 {strides = array<i32>} : memref<128xi32, #tpu.memory_space<vmem>>, vector<16xi32>,
        %add3A_393 = arith.constant 96 : i32
        %add3A_394 = vector.broadcast %add3A_393 : i32 to vector<16xi32>
        %add3A_395 = arith.addi %iota3A, %add3A_394 : vector<16xi32>
        %gather3A_396 = tpu.vector_load_idx %arg6[%add3A_395, %add3A_356] : memref<128x200xi32, #tpu.memory_space<vmem>>[vector<16xi32>, vector<16xi32>], vector<16xi32>,
        %swap3A_397 = arith.constant 96 : index
        %swap3A_398 = tpu.vector_load %arg17[%swap3A_397] {strides = array<i32>} : memref<128xi32, #tpu.memory_space<vmem>>, vector<16xi32>,
        tpu.vector_store %arg17[%swap3A_397], %gather3A_396 {strides = array<i32>} : memref<128xi32, #tpu.memory_space<vmem>>, vector<16xi32>,
        %add3A_399 = arith.constant 112 : i32
        %add3A_400 = vector.broadcast %add3A_399 : i32 to vector<16xi32>
        %add3A_401 = arith.addi %iota3A, %add3A_400 : vector<16xi32>
        %gather3A_402 = tpu.vector_load_idx %arg6[%add3A_401, %add3A_356] : memref<128x200xi32, #tpu.memory_space<vmem>>[vector<16xi32>, vector<16xi32>], vector<16xi32>,
        %swap3A_403 = arith.constant 112 : index
        %swap3A_404 = tpu.vector_load %arg17[%swap3A_403] {strides = array<i32>} : memref<128xi32, #tpu.memory_space<vmem>>, vector<16xi32>,
        tpu.vector_store %arg17[%swap3A_403], %gather3A_402 {strides = array<i32>} : memref<128xi32, #tpu.memory_space<vmem>>, vector<16xi32>,
        %dma_start3A_405 = arith.constant 0 : i32
        %dma_start3A_406 = arith.constant 0 : i32
        %dma_start3A_407 = tpu.memref_slice %arg3[%dma_start3A_405, %dma_start3A_406] : memref<100000x64xf32, #tpu.memory_space<hbm>> -> memref<100000x64xf32, #tpu.memory_space<hbm>>
        tpu.enqueue_indirect_dma source(%dma_start3A_407 : memref<100000x64xf32, #tpu.memory_space<hbm>>) target(%arg9 : memref<128x64xf32, #tpu.memory_space<vmem>>) offsets(%arg17 : memref<128xi32, #tpu.memory_space<vmem>>) semaphore(%arg21 : memref<!tpu.dma_semaphore, #tpu.memory_space<semaphore_mem>>)
      } else {
      }
      %get3A_317 = arith.index_cast %add3A_306 : i32 to index
      %get3A_318 = arith.constant 0 : index
      %get3A_319 = tpu.vector_load %arg7[%get3A_317, %get3A_318] {strides = array<i32>} : memref<200x64xf32, #tpu.memory_space<vmem>>, vector<16xf32>,
      %get3A_320 = arith.index_cast %add3A_306 : i32 to index
      %get3A_321 = arith.constant 16 : index
      %get3A_322 = tpu.vector_load %arg7[%get3A_320, %get3A_321] {strides = array<i32>} : memref<200x64xf32, #tpu.memory_space<vmem>>, vector<16xf32>,
      %get3A_323 = arith.index_cast %add3A_306 : i32 to index
      %get3A_324 = arith.constant 32 : index
      %get3A_325 = tpu.vector_load %arg7[%get3A_323, %get3A_324] {strides = array<i32>} : memref<200x64xf32, #tpu.memory_space<vmem>>, vector<16xf32>,
      %get3A_326 = arith.index_cast %add3A_306 : i32 to index
      %get3A_327 = arith.constant 48 : index
      %get3A_328 = tpu.vector_load %arg7[%get3A_326, %get3A_327] {strides = array<i32>} : memref<200x64xf32, #tpu.memory_space<vmem>>, vector<16xf32>,
      %parallel_loop3A_329 = arith.constant 0 : i32
      %parallel_loop3A_330 = arith.constant 128 : i32
      %parallel_loop3A_331 = arith.constant 1 : i32
      scf.for %parallel_loop3A_344 = %parallel_loop3A_329 to %parallel_loop3A_330 step %parallel_loop3A_331  : i32 {
        %parallel_loop3A_345 = arith.constant 0 : i32
        %parallel_loop3A_346 = vector.broadcast %parallel_loop3A_345 : i32 to vector<16xi32>
        %parallel_loop3A_347 = arith.muli %iota3A, %parallel_loop3A_346 : vector<16xi32>
        %parallel_loop3A_348 = vector.broadcast %parallel_loop3A_344 : i32 to vector<16xi32>
        %parallel_loop3A_349 = arith.addi %parallel_loop3A_347, %parallel_loop3A_348 : vector<16xi32>
        %parallel_loop3A_350 = arith.index_cast %parallel_loop3A_344 : i32 to index
        %parallel_loop3A_351 = arith.constant 0 : index
        %parallel_loop3A_352 = tpu.vector_load %arg11[%parallel_loop3A_350, %parallel_loop3A_351] {strides = array<i32>} : memref<128x64xf32, #tpu.memory_space<vmem>>, vector<16xf32>,
        %parallel_loop3A_353 = arith.addf %parallel_loop3A_352, %get3A_319 : vector<16xf32>
        tpu.vector_store_idx %arg15[%add3A_116, %parallel_loop3A_349], %parallel_loop3A_353 : memref<64x129xf32, #tpu.memory_space<vmem>>[vector<16xi32>, vector<16xi32>], vector<16xf32>,
        %parallel_loop3A_354 = arith.index_cast %parallel_loop3A_344 : i32 to index
        %parallel_loop3A_355 = arith.constant 16 : index
        %parallel_loop3A_356 = tpu.vector_load %arg11[%parallel_loop3A_354, %parallel_loop3A_355] {strides = array<i32>} : memref<128x64xf32, #tpu.memory_space<vmem>>, vector<16xf32>,
        %parallel_loop3A_357 = arith.addf %parallel_loop3A_356, %get3A_322 : vector<16xf32>
        tpu.vector_store_idx %arg15[%add3A_119, %parallel_loop3A_349], %parallel_loop3A_357 : memref<64x129xf32, #tpu.memory_space<vmem>>[vector<16xi32>, vector<16xi32>], vector<16xf32>,
        %parallel_loop3A_358 = arith.index_cast %parallel_loop3A_344 : i32 to index
        %parallel_loop3A_359 = arith.constant 32 : index
        %parallel_loop3A_360 = tpu.vector_load %arg11[%parallel_loop3A_358, %parallel_loop3A_359] {strides = array<i32>} : memref<128x64xf32, #tpu.memory_space<vmem>>, vector<16xf32>,
        %parallel_loop3A_361 = arith.addf %parallel_loop3A_360, %get3A_325 : vector<16xf32>
        tpu.vector_store_idx %arg15[%add3A_122, %parallel_loop3A_349], %parallel_loop3A_361 : memref<64x129xf32, #tpu.memory_space<vmem>>[vector<16xi32>, vector<16xi32>], vector<16xf32>,
        %parallel_loop3A_362 = arith.index_cast %parallel_loop3A_344 : i32 to index
        %parallel_loop3A_363 = arith.constant 48 : index
        %parallel_loop3A_364 = tpu.vector_load %arg11[%parallel_loop3A_362, %parallel_loop3A_363] {strides = array<i32>} : memref<128x64xf32, #tpu.memory_space<vmem>>, vector<16xf32>,
        %parallel_loop3A_365 = arith.addf %parallel_loop3A_364, %get3A_328 : vector<16xf32>
        tpu.vector_store_idx %arg15[%add3A_125, %parallel_loop3A_349], %parallel_loop3A_365 : memref<64x129xf32, #tpu.memory_space<vmem>>[vector<16xi32>, vector<16xi32>], vector<16xf32>,
      } {sc.loop_unroll_factor = 1 : i64, sc.parallel_access}
      %dma_start3A_332 = arith.constant 0 : i32
      %dma_start3A_333 = arith.constant 0 : i32
      %dma_start3A_334 = tpu.memref_slice %arg15[%dma_start3A_332, %dma_start3A_333] : memref<64x129xf32, #tpu.memory_space<vmem>> -> memref<64x128xf32, #tpu.memory_space<vmem>>
      %dma_start3A_335 = arith.constant 0 : i32
      %dma_start3A_336 = tpu.memref_slice %arg5[%add3A_306, %dma_start3A_335, %mul3A_2] : memref<200x64x4096xf32, #tpu.memory_space<hbm>> -> memref<1x64x128xf32, #tpu.memory_space<hbm>>
      %dma_start3A_337 = tpu.memref_squeeze %dma_start3A_336 : memref<1x64x128xf32, #tpu.memory_space<hbm>> -> memref<64x128xf32, #tpu.memory_space<hbm>>
      %dma_start3A_338 = arith.constant 0 : i32
      %dma_start3A_339 = tpu.memref_slice %arg5[%add3A_306, %dma_start3A_338, %mul3A_2] : memref<200x64x4096xf32, #tpu.memory_space<hbm>> -> memref<1x64x128xf32, #tpu.memory_space<hbm>>
      %dma_start3A_340 = tpu.memref_squeeze %dma_start3A_339 : memref<1x64x128xf32, #tpu.memory_space<hbm>> -> memref<64x128xf32, #tpu.memory_space<hbm>>
      %dma_start3A_341 = arith.constant 0 : i32
      %dma_start3A_342 = arith.constant 0 : i32
      %dma_start3A_343 = tpu.memref_slice %arg15[%dma_start3A_341, %dma_start3A_342] : memref<64x129xf32, #tpu.memory_space<vmem>> -> memref<64x128xf32, #tpu.memory_space<vmem>>
      tpu.enqueue_dma source(%dma_start3A_343 : memref<64x128xf32, #tpu.memory_space<vmem>>) target(%dma_start3A_340 : memref<64x128xf32, #tpu.memory_space<hbm>>) target_semaphore(%arg27 : memref<!tpu.dma_semaphore, #tpu.memory_space<semaphore_mem>>)
    }
    %scan3A_130 = arith.constant 50 : i32
    %dma_wait3A = arith.constant 0 : i32
    %dma_wait3A_131 = arith.constant 0 : i32
    %dma_wait3A_132 = arith.constant 0 : i32
    %dma_wait3A_133 = tpu.memref_slice %arg12[%dma_wait3A_131, %dma_wait3A_132] : memref<64x129xf32, #tpu.memory_space<vmem>> -> memref<64x128xf32, #tpu.memory_space<vmem>>
    %dma_wait3A_134 = arith.constant 0 : i32
    %dma_wait3A_135 = arith.constant 0 : i32
    %dma_wait3A_136 = tpu.memref_slice %arg5[%dma_wait3A, %dma_wait3A_134, %dma_wait3A_135] : memref<200x64x4096xf32, #tpu.memory_space<hbm>> -> memref<1x64x128xf32, #tpu.memory_space<hbm>>
    %dma_wait3A_137 = tpu.memref_squeeze %dma_wait3A_136 : memref<1x64x128xf32, #tpu.memory_space<hbm>> -> memref<64x128xf32, #tpu.memory_space<hbm>>
    %dma_wait3A_138 = arith.constant 0 : i32
    %dma_wait3A_139 = arith.constant 0 : i32
    %dma_wait3A_140 = tpu.memref_slice %arg5[%dma_wait3A, %dma_wait3A_138, %dma_wait3A_139] : memref<200x64x4096xf32, #tpu.memory_space<hbm>> -> memref<1x64x128xf32, #tpu.memory_space<hbm>>
    %dma_wait3A_141 = tpu.memref_squeeze %dma_wait3A_140 : memref<1x64x128xf32, #tpu.memory_space<hbm>> -> memref<64x128xf32, #tpu.memory_space<hbm>>
    %dma_wait3A_142 = arith.constant 0 : i32
    %dma_wait3A_143 = arith.constant 0 : i32
    %dma_wait3A_144 = tpu.memref_slice %arg12[%dma_wait3A_142, %dma_wait3A_143] : memref<64x129xf32, #tpu.memory_space<vmem>> -> memref<64x128xf32, #tpu.memory_space<vmem>>
    tpu.wait_dma2 semaphore(%arg24 : memref<!tpu.dma_semaphore, #tpu.memory_space<semaphore_mem>>) src(%dma_wait3A_144 : memref<64x128xf32, #tpu.memory_space<vmem>>) dst(%dma_wait3A_141 : memref<64x128xf32, #tpu.memory_space<hbm>>)
    %dma_wait3A_145 = arith.constant 0 : i32
    %dma_wait3A_146 = arith.constant 0 : i32
    %dma_wait3A_147 = arith.constant 0 : i32
    %dma_wait3A_148 = tpu.memref_slice %arg13[%dma_wait3A_146, %dma_wait3A_147] : memref<64x129xf32, #tpu.memory_space<vmem>> -> memref<64x128xf32, #tpu.memory_space<vmem>>
    %dma_wait3A_149 = arith.constant 0 : i32
    %dma_wait3A_150 = arith.constant 0 : i32
    %dma_wait3A_151 = tpu.memref_slice %arg5[%dma_wait3A_145, %dma_wait3A_149, %dma_wait3A_150] : memref<200x64x4096xf32, #tpu.memory_space<hbm>> -> memref<1x64x128xf32, #tpu.memory_space<hbm>>
    %dma_wait3A_152 = tpu.memref_squeeze %dma_wait3A_151 : memref<1x64x128xf32, #tpu.memory_space<hbm>> -> memref<64x128xf32, #tpu.memory_space<hbm>>
    %dma_wait3A_153 = arith.constant 0 : i32
    %dma_wait3A_154 = arith.constant 0 : i32
    %dma_wait3A_155 = tpu.memref_slice %arg5[%dma_wait3A_145, %dma_wait3A_153, %dma_wait3A_154] : memref<200x64x4096xf32, #tpu.memory_space<hbm>> -> memref<1x64x128xf32, #tpu.memory_space<hbm>>
    %dma_wait3A_156 = tpu.memref_squeeze %dma_wait3A_155 : memref<1x64x128xf32, #tpu.memory_space<hbm>> -> memref<64x128xf32, #tpu.memory_space<hbm>>
    %dma_wait3A_157 = arith.constant 0 : i32
    %dma_wait3A_158 = arith.constant 0 : i32
    %dma_wait3A_159 = tpu.memref_slice %arg13[%dma_wait3A_157, %dma_wait3A_158] : memref<64x129xf32, #tpu.memory_space<vmem>> -> memref<64x128xf32, #tpu.memory_space<vmem>>
    tpu.wait_dma2 semaphore(%arg25 : memref<!tpu.dma_semaphore, #tpu.memory_space<semaphore_mem>>) src(%dma_wait3A_159 : memref<64x128xf32, #tpu.memory_space<vmem>>) dst(%dma_wait3A_156 : memref<64x128xf32, #tpu.memory_space<hbm>>)
    %dma_wait3A_160 = arith.constant 0 : i32
    %dma_wait3A_161 = arith.constant 0 : i32
    %dma_wait3A_162 = arith.constant 0 : i32
    %dma_wait3A_163 = tpu.memref_slice %arg14[%dma_wait3A_161, %dma_wait3A_162] : memref<64x129xf32, #tpu.memory_space<vmem>> -> memref<64x128xf32, #tpu.memory_space<vmem>>
    %dma_wait3A_164 = arith.constant 0 : i32
    %dma_wait3A_165 = arith.constant 0 : i32
    %dma_wait3A_166 = tpu.memref_slice %arg5[%dma_wait3A_160, %dma_wait3A_164, %dma_wait3A_165] : memref<200x64x4096xf32, #tpu.memory_space<hbm>> -> memref<1x64x128xf32, #tpu.memory_space<hbm>>
    %dma_wait3A_167 = tpu.memref_squeeze %dma_wait3A_166 : memref<1x64x128xf32, #tpu.memory_space<hbm>> -> memref<64x128xf32, #tpu.memory_space<hbm>>
    %dma_wait3A_168 = arith.constant 0 : i32
    %dma_wait3A_169 = arith.constant 0 : i32
    %dma_wait3A_170 = tpu.memref_slice %arg5[%dma_wait3A_160, %dma_wait3A_168, %dma_wait3A_169] : memref<200x64x4096xf32, #tpu.memory_space<hbm>> -> memref<1x64x128xf32, #tpu.memory_space<hbm>>
    %dma_wait3A_171 = tpu.memref_squeeze %dma_wait3A_170 : memref<1x64x128xf32, #tpu.memory_space<hbm>> -> memref<64x128xf32, #tpu.memory_space<hbm>>
    %dma_wait3A_172 = arith.constant 0 : i32
    %dma_wait3A_173 = arith.constant 0 : i32
    %dma_wait3A_174 = tpu.memref_slice %arg14[%dma_wait3A_172, %dma_wait3A_173] : memref<64x129xf32, #tpu.memory_space<vmem>> -> memref<64x128xf32, #tpu.memory_space<vmem>>
    tpu.wait_dma2 semaphore(%arg26 : memref<!tpu.dma_semaphore, #tpu.memory_space<semaphore_mem>>) src(%dma_wait3A_174 : memref<64x128xf32, #tpu.memory_space<vmem>>) dst(%dma_wait3A_171 : memref<64x128xf32, #tpu.memory_space<hbm>>)
    %dma_wait3A_175 = arith.constant 0 : i32
    %dma_wait3A_176 = arith.constant 0 : i32
    %dma_wait3A_177 = arith.constant 0 : i32
    %dma_wait3A_178 = tpu.memref_slice %arg15[%dma_wait3A_176, %dma_wait3A_177] : memref<64x129xf32, #tpu.memory_space<vmem>> -> memref<64x128xf32, #tpu.memory_space<vmem>>
    %dma_wait3A_179 = arith.constant 0 : i32
    %dma_wait3A_180 = arith.constant 0 : i32
    %dma_wait3A_181 = tpu.memref_slice %arg5[%dma_wait3A_175, %dma_wait3A_179, %dma_wait3A_180] : memref<200x64x4096xf32, #tpu.memory_space<hbm>> -> memref<1x64x128xf32, #tpu.memory_space<hbm>>
    %dma_wait3A_182 = tpu.memref_squeeze %dma_wait3A_181 : memref<1x64x128xf32, #tpu.memory_space<hbm>> -> memref<64x128xf32, #tpu.memory_space<hbm>>
    %dma_wait3A_183 = arith.constant 0 : i32
    %dma_wait3A_184 = arith.constant 0 : i32
    %dma_wait3A_185 = tpu.memref_slice %arg5[%dma_wait3A_175, %dma_wait3A_183, %dma_wait3A_184] : memref<200x64x4096xf32, #tpu.memory_space<hbm>> -> memref<1x64x128xf32, #tpu.memory_space<hbm>>
    %dma_wait3A_186 = tpu.memref_squeeze %dma_wait3A_185 : memref<1x64x128xf32, #tpu.memory_space<hbm>> -> memref<64x128xf32, #tpu.memory_space<hbm>>
    %dma_wait3A_187 = arith.constant 0 : i32
    %dma_wait3A_188 = arith.constant 0 : i32
    %dma_wait3A_189 = tpu.memref_slice %arg15[%dma_wait3A_187, %dma_wait3A_188] : memref<64x129xf32, #tpu.memory_space<vmem>> -> memref<64x128xf32, #tpu.memory_space<vmem>>
    tpu.wait_dma2 semaphore(%arg27 : memref<!tpu.dma_semaphore, #tpu.memory_space<semaphore_mem>>) src(%dma_wait3A_189 : memref<64x128xf32, #tpu.memory_space<vmem>>) dst(%dma_wait3A_186 : memref<64x128xf32, #tpu.memory_space<hbm>>)
    return
  }
}

module attributes {stable_mosaic.version = 14 : i64} {
  func.func @_relayout_body(%arg0: i32, %arg1: memref<2097152xf32, #tpu.memory_space<vmem>>, %arg2: memref<8x64x4096xf32, #tpu.memory_space<vmem>>) attributes {dimension_semantics = [#tpu.dimension_semantics<arbitrary>], iteration_bounds = array<i64: 25>, scalar_prefetch = 0 : i64, scratch_operands = 0 : i64, tpu.core_type = #tpu.core_type<tc>, window_params = [{transform_indices = @transform_0, window_bounds = array<i64: 2097152>}, {transform_indices = @transform_1, window_bounds = array<i64: 8, 64, 4096>}]} {
    %get3A = arith.constant 0 : index
    %get3A_0 = vector.load %arg1[%get3A] : memref<2097152xf32, #tpu.memory_space<vmem>>, vector<2097152xf32>
    %reshape3A = vector.shape_cast %get3A_0 : vector<2097152xf32> to vector<8x64x4096xf32>
    %swap3A = arith.constant 0 : index
    %swap3A_1 = arith.constant 0 : index
    %swap3A_2 = arith.constant 0 : index
    %swap3A_3 = vector.load %arg2[%swap3A, %swap3A_1, %swap3A_2] : memref<8x64x4096xf32, #tpu.memory_space<vmem>>, vector<8x64x4096xf32>
    tpu.vector_store %arg2[%swap3A, %swap3A_1, %swap3A_2], %reshape3A {strides = array<i32>} : memref<8x64x4096xf32, #tpu.memory_space<vmem>>, vector<8x64x4096xf32>,
    return
  }
  func.func @transform_0(%arg0: i32) -> i32 {
    %c0_i32 = arith.constant 0 : i32
    return %arg0 : i32
  }
  func.func @transform_1(%arg0: i32) -> (i32, i32, i32) {
    %c0_i32 = arith.constant 0 : i32
    %c0_i32_0 = arith.constant 0 : i32
    %c0_i32_1 = arith.constant 0 : i32
    return %arg0, %c0_i32, %c0_i32_0 : i32, i32, i32
  }
}

</mosaic_0001>

<sc_bundles>
// kernel: kernel.4.cloned.1.call-start
scs
__scs_entry_jumppad:
0x0: {  	(pc) =	sbr.rel $0x88, $3  }
0x1: {  	(tag) =	ssettag $0x0;
	lr =	simm.s32 $0x1  }
0x2: {  	[smem:$0x3F9E] =	sst lr;
	_ =	strace $0xD0000000  }
0x3: {  	_ = 	snop  }
0x4: {  	_ = 	snop  }
0x5: {  	_ = 	snop  }
0x6: {  	_ = 	snop  }
0x7: {  	_ = 	snop  }
__scs_overlays_trampoline_lowered:
0x8: {  	[smem:$0x3FAD] =	sst s0  }
0x9: {  	[smem:$0x3FAE] =	sst s1  }
0xa: {  	[smem:$0x3FAF] =	sst s2  }
0xb: {  	[smem:$0x3FB0] =	sst s3  }
0xc: {  	[smem:$0x3FB1] =	sst s4  }
0xd: {  	[smem:$0x3FB2] =	sst s5  }
0xe: {  	[smem:$0x3FB3] =	sst s6  }
0xf: {  	[smem:$0x3FB4] =	sst s7  }
0x10: {  	[smem:$0x3FB5] =	sst s8  }
0x11: {  	[smem:$0x3FB6] =	sst s9;
	s0 =	simm.s32 @!p0 $0x0  }
0x12: {  	s1 =	sld [smem:$0x3F9C];
	s0 =	simm.s32 @p0 $0x1  }
0x13: {  	[smem:$0x3FB7] =	sst s0;
	s0 =	simm.s32 @!p1 $0x0  }
0x14: {  	s2 =	sld [smem:$0x3F9B];
	s0 =	simm.s32 @p1 $0x1  }
0x15: {  	[smem:$0x3FB8] =	sst s0;
	s0 =	simm.s32 @!p2 $0x0  }
0x16: {  	s3 =	sld [smem:$0x3FDB];
	s0 =	simm.s32 @p2 $0x1  }
0x17: {  	s4 =	simm.s32 $0x1BF5;
	[smem:$0x3FBA] =	sst s0  }
0x18: {  	s0 =	sld [smem:$0x3F9D];
	_ =	swait.ge [sflag:s4], $0x0  }
0x19: {  	s7 =	sld [smem:$0x3F9E]  }
0x1a: {  	s8 =	sadd.s32 $0xFFFFE003, lr  }
0x1b: {  	s9 =	sadd.s32 $0xFFFFFEF7, lr;
	s5 =	simm.s32 $0xFFFFFFFF;
	p2 =	slt.u32 s8, $0xFFFFF086  }
0x1c: {  	p1 =	slt.u32 s9, $0xF7A;
	s5 =	simm.s32 @!p2 $0x0  }
0x1d: {  	s5 =	simm.s32 @p1 $0x1;
	p0 =	seq.s32 s7, s2  }
0x1e: {  	s7 =	smul.u32 @!p0 $0xF7A, s2;
	p2 =	seq.s32 @!p0 s5, $0x0  }
0x1f: {  	s9 =	smul.u32 $0xF7A, s1;
	s8 =	simm.s32 @!p0 $0x1BF5;
	p2 =	por !p2, p0  }
0x20: {  	[sflag:s8] =	ssyncset.s32 @!p0 $0xFFFFF086;
	s6 =	sadd.s32 @!p0 s3, s7;
	s7 =	simm.s32 @!p0 $0x108  }
0x21: {  	s3 =	sadd.s32 s3, s9;
	s6 =	sadd.s32 @!p0 $0x88, s6;
	s7 =	simm.s32 @p2 $0x1082  }
0x22: {  	[simem:s7], [sflag:s8] =	dma.local @!p0 [hbm:s6], $0xF7A  }
0x23: {  	s9 =	sor.u32 $0xD0000000, s2;
	s6 =	simm.s32 $0x108;
	_ =	swait.ge @!p0 [sflag:s8], $0x0  }
0x24: {  	s3 =	sadd.s32 $0x88, s3;
	s6 =	simm.s32 @!p1 $0x1082;
	[sflag:s4] =	ssyncset.s32 $0xFFFFF086  }
0x25: {  	[simem:s6], [sflag:s4] =	dma.local [hbm:s3], $0xF7A  }
0x26: {  	[smem:$0x3F9E] =	sst s1;
	(tag) =	ssettag s2;
	_ =	strace s9  }
0x27: {  	s1 =	sld [smem:$0x3FAE]  }
0x28: {  	s2 =	sld [smem:$0x3FAF]  }
0x29: {  	s4 =	sld [smem:$0x3FB1]  }
0x2a: {  	p0 =	seq.s32 s5, $0x0;
	s5 =	sld [smem:$0x3FB2]  }
0x2b: {  	s6 =	sld [smem:$0x3FB3]  }
0x2c: {  	s7 =	sld [smem:$0x3FB4]  }
0x2d: {  	s3 =	simm.s32 $0x108;
	s8 =	sld [smem:$0x3FB5]  }
0x2e: {  	s3 =	simm.s32 @!p0 $0x1082;
	s9 =	sld [smem:$0x3FB6]  }
0x2f: {  	lr =	sadd.s32 s0, s3;
	s0 =	sld [smem:$0x3FAD]  }
0x30: {  	s3 =	sld [smem:$0x3FB0]  }
0x31: {  	[smem:$0x3FB9] =	sst s10  }
0x32: {  	s10 =	sld [smem:$0x3FB7];
	_ =	sdelay $0x3  }
0x33: {  	p0 =	seq.s32 s10, $0x1;
	s10 =	sld [smem:$0x3FB9];
	_ =	sdelay $0x3  }
0x34: {  	[smem:$0x3FB9] =	sst s10  }
0x35: {  	s10 =	sld [smem:$0x3FB8];
	_ =	sdelay $0x3  }
0x36: {  	p1 =	seq.s32 s10, $0x1;
	s10 =	sld [smem:$0x3FB9];
	_ =	sdelay $0x3  }
0x37: {  	[smem:$0x3FB9] =	sst s10  }
0x38: {  	s10 =	sld [smem:$0x3FBA]  }
0x39: {  	_ = 	snop;
	(pc) =	sbr.ind lr, $3  }
0x3a: {  	_ = 	snop  }
0x3b: {  	_ = 	snop  }
0x3c: {  	p2 =	seq.s32 s10, $0x1;
	s10 =	sld [smem:$0x3FB9]  }
0x3d: {  	_ =	shalt  }
0x3e: {  	_ =	shalt  }
0x3f: {  	_ =	shalt  }
0x40: {  	_ =	shalt  }
0x41: {  	_ =	shalt  }
0x42: {  	_ =	shalt  }
0x43: {  	_ =	shalt  }
0x44: {  	_ =	shalt  }
0x45: {  	_ =	shalt  }
0x46: {  	_ =	shalt  }
0x47: {  	_ =	shalt  }
0x48: {  	_ =	shalt  }
0x49: {  	_ =	shalt  }
0x4a: {  	_ =	shalt  }
0x4b: {  	_ =	shalt  }
0x4c: {  	_ =	shalt  }
0x4d: {  	_ =	shalt  }
0x4e: {  	_ =	shalt  }
0x4f: {  	_ =	shalt  }
0x50: {  	_ =	shalt  }
0x51: {  	_ =	shalt  }
0x52: {  	_ =	shalt  }
0x53: {  	_ =	shalt  }
0x54: {  	_ =	shalt  }
0x55: {  	_ =	shalt  }
0x56: {  	_ =	shalt  }
0x57: {  	_ =	shalt  }
0x58: {  	_ =	shalt  }
0x59: {  	_ =	shalt  }
0x5a: {  	_ =	shalt  }
0x5b: {  	_ =	shalt  }
0x5c: {  	_ =	shalt  }
0x5d: {  	_ =	shalt  }
0x5e: {  	_ =	shalt  }
0x5f: {  	_ =	shalt  }
0x60: {  	_ =	shalt  }
0x61: {  	_ =	shalt  }
0x62: {  	_ =	shalt  }
0x63: {  	_ =	shalt  }
0x64: {  	_ =	shalt  }
0x65: {  	_ =	shalt  }
0x66: {  	_ =	shalt  }
0x67: {  	_ =	shalt  }
0x68: {  	_ =	shalt  }
0x69: {  	_ =	shalt  }
0x6a: {  	_ =	shalt  }
0x6b: {  	_ =	shalt  }
0x6c: {  	_ =	shalt  }
0x6d: {  	_ =	shalt  }
0x6e: {  	_ =	shalt  }
0x6f: {  	_ =	shalt  }
0x70: {  	_ =	shalt  }
0x71: {  	_ =	shalt  }
0x72: {  	_ =	shalt  }
0x73: {  	_ =	shalt  }
0x74: {  	_ =	shalt  }
0x75: {  	_ =	shalt  }
0x76: {  	_ =	shalt  }
0x77: {  	_ =	shalt  }
0x78: {  	_ =	shalt  }
0x79: {  	_ =	shalt  }
0x7a: {  	_ =	shalt  }
0x7b: {  	_ =	shalt  }
0x7c: {  	_ =	shalt  }
0x7d: {  	_ =	shalt  }
0x7e: {  	_ =	shalt  }
0x7f: {  	_ =	shalt  }
0x80: {  	_ =	shalt  }
0x81: {  	_ =	shalt  }
0x82: {  	_ =	shalt  }
0x83: {  	_ =	shalt  }
0x84: {  	_ =	shalt  }
0x85: {  	_ =	shalt  }
0x86: {  	_ =	shalt  }
0x87: {  	_ =	shalt  }
.Lfunc_end0:
.L_simem_size_0:
called_computation_lowered:
.L_overlay_start_0:
0x88: {  	s2 =	sld [smem:$0x3FD9]  }
0x89: {  	s3 =	sld [smem:$0x3FFE];
	_ =	sdelay $0x1  }
0x8a: {  	s1 =	srdreg.scid  }
0x8b: {  	s0 =	sand.u32 $0x1, s1  }
0x8c: {  	s16 =	sshll.u32 s0, $0xA;
	s2 =	sadd.s32 s3, s2  }
0x8d: {  	s2 =	sadd.s32 s2, s16  }
0x8e: {  	[smem:$0x3FC5] =	sst s2  }
0x8f: {  	_ = 	snop  }
0x90: {  	(tm) =	ssettm $0x1  }
0x91: {  	s17 =	sld [smem:$0x3FFB];
	_ =	sdelay $0x3  }
0x92: {  	_ =	strace s17  }
0x93: {  	s2 =	sld [smem:$0x3FFC];
	_ =	sdelay $0x3  }
0x94: {  	_ =	strace s2  }
0x95: {  	s2 =	sld [smem:$0x3FFD];
	_ =	sdelay $0x3  }
0x96: {  	_ =	strace s2  }
0x97: {  	_ =	strace $0x8FFFFFFF  }
0x98: {  	s18 =	sld [smem:$0x3FDB];
	_ =	sdelay $0x1  }
0x99: {  	s19 =	simm.s32 $_scs_section_size  }
0x9a: {  	s4 =	simm.s32 $_size__tile_overlayer_lowered;
	s5 =	simm.s32 $_tile_overlayer_lowered  }
0x9b: {  	s22 =	simm.s32 $0x1BFF;
	s21 =	sshll.u32 s5, $0x1;
	s2 =	sadd.s32 s19, s18  }
0x9c: {  	s6 =	simm.s32 $0x0;
	s20 =	sshll.u32 s4, $0x1;
	s4 =	sadd.s32 s21, s2  }
0x9d: {  	[timem:s6], [sflag:s22] =	dma.local [hbm:s4], s20  }
0x9e: {  	_ =	swait.ge [sflag:s22], s20  }
0x9f: {  	s3 =	ssub.s32 $0x0, s20;
	[sflag:s22] =	ssyncset.done $0x0  }
0xa0: {  	[sflag:s22] =	ssyncadd.s32 s3;
	_ =	sdelay $0x1  }
0xa1: {  	s23 =	simm.s32 $0x1B8B  }
0xa2: {  	_ =	swait.ge [sflag:s23], $0x1  }
0xa3: {  	[sflag:s23] =	ssyncset.done $0x0  }
0xa4: {  	s25 =	simm.s32 $0x1B8E;
	s24 =	sld [smem:$0x3FFE];
	[sflag:s23] =	ssyncadd.s32 $0xFFFFFFFF  }
0xa5: {  	s26 =	simm.s32 $execute0_lowered;
	[smem:$0x3FD2] =	sst s25  }
0xa6: {  	s4 =	sshll.u32 s26, $0x1;
	_ =	strace $0x80000046;
	[dreg:$0x1] =	wrdreg $0xFFFFFFFF  }
0xa7: {  	s28 =	simm.s32 $_size_execute0_lowered;
	s2 =	sadd.s32 s2, s4;
	[dreg:$0x0] =	wrdreg $0x0  }
0xa8: {  	s4 =	sshll.u32 s28, $0x1;
	[dreg:$0x2] =	wrdreg s2  }
0xa9: {  	[dreg:$0x3] =	wrdreg s4  }
0xaa: {  	[dreg:$0x4] =	wrdreg $0xC0  }
0xab: {  	_ =	task [dreg:s6], $0x5FFFF  }
0xac: {  	[dreg:$0x1] =	wrdreg $0xFFFFFFFF  }
0xad: {  	[dreg:$0x0] =	wrdreg $0x60  }
0xae: {  	[dreg:$0x2] =	wrdreg s24  }
0xaf: {  	[dreg:$0x3] =	wrdreg $0x9  }
0xb0: {  	_ =	task.clear_ibuf [dreg:s6], $0x4FFFF;
	_ =	strace $0x90000046  }
0xb1: {  	s29 =	simm.s32 $0x9;
	_ =	strace $0x80000048  }
0xb2: {  	_ =	swait.ge [sflag:s29], $0x1  }
0xb3: {  	[sflag:s29] =	ssyncadd.s32 $0xFFFFFFFF  }
0xb4: {  	_ =	strace $0x90000048  }
0xb5: {  	_ =	sfence  }
0xb6: {  	s30 =	sld [smem:$0x0];
	_ =	sdelay $0x2  }
0xb7: {  	s31 =	sshll.u32 s1, $0xD;
	s1 =	sshrl.u32 s1, $0x2  }
0xb8: {  	s3 =	sand.u32 $0x4000, s31;
	s1 =	sadd.s32 s1, s30  }
0xb9: {  	s0 =	sor.u32 s3, s0;
	s1 =	sshll.u32 s1, $0x11  }
0xba: {  	s0 =	sor.u32 s1, s0  }
0xbb: {  	s0 =	sadd.s32 $0x8F2B, s0  }
0xbc: {  	[sflag:s0] =	ssyncadd.remote.s32 $0x1  }
0xbd: {  	_ =	sfence.sel $0xFFFF  }
0xbe: {  	[dreg:$0x0] =	wrdreg $0xFFFFFFFF;
	(pc) =	sbr.abs _section_cstart, $3  }
0xbf: {  	[dreg:$0x1] =	wrdreg $0xFFFFFFFF  }
0xc0: {  	_ =	task.clear_ibuf [dreg:s6], $0x2FFFF;
	_ =	strace $0x9FFFFFFF  }
0xc1: {  	(tm) =	ssettm $0x7FFFFFFF  }
tec
execute0_lowered:
.L_overlay_start_1:
0x0: {  	(tag) =	ssettag $0x1  }
0x1: {  	s0 =	srdreg.scid  }
0x2: {  	s1 =	stileid.u32;
	s5 =	rddreg [dreg:$0x0]  }
0x3: {  	s3 =	simm.s32 $0x0;
	s9 =	simm.s32 $0x9;
	s11 =	simm.s32 $0x80  }
0x4: {  	s16 =	simm.s32 $0x1;
	s17 =	simm.s32 $0x19F00;
	s18 =	simm.s32 $0xD600  }
0x5: {  	s19 =	simm.s32 $0x11600;
	s20 =	simm.s32 $0x2;
	s21 =	simm.s32 $0x19F80  }
0x6: {  	v13 =	vlaneseq.u32;
	s22 =	simm.s32 $0xF600;
	s23 =	simm.s32 $0x13800;
	s24 =	simm.s32 $0x3  }
0x7: {  	s25 =	simm.s32 $0x15A00;
	s26 =	simm.s32 $0x4;
	s0 =	sand.u32 $0x1, s0;
	v0 =	vmul.u32 $0xC8, v13  }
0x8: {  	s28 =	simm.s32 $0x17C00;
	s1 =	sshll.u32 s1, $0x8;
	v13 =	vmul.u32 $0x88, v13;
	s2 =	sshll.u32 s0, $0x7  }
0x9: {  	[smem:$0x7FF] =	sst s3;
	s0 =	ssub.s32 $0x2, s0;
	s2 =	sor.u32 s2, s1;
	v1 =	vadd.s32 $0xC80, v0;
	v2 =	vadd.s32 $0x1900, v0;
	v3 =	vadd.s32 $0x2580, v0  }
0xa: {  	s4 =	sadd.s32 $0x19C00, s5;
	s6 =	sshrl.u32 s0, $0x1;
	v4 =	vadd.s32 $0x3200, v0;
	v5 =	vadd.s32 $0x3E80, v0;
	v6 =	vadd.s32 $0x4B00, v0;
	s1 =	smul.u32 $0x19, s2  }
0xb: {  	s7 =	sadd.s32 $0x400, s5;
	_ =	strace $0x80000047;
	v7 =	vadd.s32 $0x5780, v0;
	v8 =	vor.u32 $0x1, v0;
	v9 =	vadd.s32 $0xC81, v0;
	s0 =	ssub.s32 s0, s6  }
0xc: {  	[dreg:$0x2] =	wrdreg s7;
	v10 =	vadd.s32 $0x1901, v0;
	v11 =	vadd.s32 $0x2581, v0;
	v12 =	vadd.s32 $0x3201, v0;
	s0 =	smax.u32 s0, $0x1;
	s1 =	sadd.s32 s1, s5  }
0xd: {  	v14 =	vadd.s32 $0x3E81, v0;
	v15 =	vadd.s32 $0x4B01, v0;
	v16 =	vadd.s32 $0x5781, v0;
	s6 =	sadd.s32 $0xDD200, s5;
	[dreg:$0x4] =	wrdreg s0;
	s1 =	sadd.s32 $0xC00, s1  }
0xe: {  	v17 =	vadd.s32 $0x880, v13;
	v18 =	vadd.s32 $0x1100, v13;
	v19 =	vadd.s32 $0x1980, v13;
	s0 =	simm.s32 $0x0;
	[dreg:$0x3] =	wrdreg s1;
	s1 =	simm.s32 $0x8  }
.LBB2_1:
0xf: {  	s5 =	rddreg [dreg:$0x3]  }
0x10: {  	[tilespmem:s3], [sflag:$0x9] =	stream.linear.gather [hbm4b:s5+s3], $0x6400, $0x38;
	[tilespmem:$0x1A000] =	vst v63  }
0x11: {  	_ =	swait.ge [sflag:s9], $0x6400  }
0x12: {  	[sflag:s9] =	ssyncset.done $0x0  }
0x13: {  	s7 =	simm.s32 $0x6400;
	s14 =	rddreg [dreg:$0x2];
	[sflag:s9] =	ssyncadd.s32 $0xFFFF9C00  }
0x14: {  	[tilespmem:s7], [sflag:$0x9] =	stream.linear.gather [hbm4b:s14+s3], $0x3200, $0x38;
	[tilespmem:$0x1A000] =	vst v63  }
0x15: {  	_ =	swait.ge [sflag:s9], $0x3200  }
0x16: {  	[sflag:s9] =	ssyncset.done $0x0  }
0x17: {  	[sflag:s9] =	ssyncadd.s32 $0xFFFFCE00  }
0x18: {  	v20 =	vld.idx.msk [tilespmem:v0+s3+$0x0], $0xffff;
	_ =	sdelay $0x4  }
0x19: {  	[tilespmem:$0x19E00] =	vst v20  }
0x1a: {  	v20 =	vld.idx.msk [tilespmem:v1+s3+$0x0], $0xffff;
	_ =	sdelay $0x4  }
0x1b: {  	[tilespmem:$0x19E10] =	vst v20  }
0x1c: {  	v20 =	vld.idx.msk [tilespmem:v2+s3+$0x0], $0xffff;
	_ =	sdelay $0x4  }
0x1d: {  	[tilespmem:$0x19E20] =	vst v20  }
0x1e: {  	v20 =	vld.idx.msk [tilespmem:v3+s3+$0x0], $0xffff;
	_ =	sdelay $0x4  }
0x1f: {  	[tilespmem:$0x19E30] =	vst v20  }
0x20: {  	v20 =	vld.idx.msk [tilespmem:v4+s3+$0x0], $0xffff;
	_ =	sdelay $0x4  }
0x21: {  	[tilespmem:$0x19E40] =	vst v20  }
0x22: {  	v20 =	vld.idx.msk [tilespmem:v5+s3+$0x0], $0xffff;
	_ =	sdelay $0x4  }
0x23: {  	[tilespmem:$0x19E50] =	vst v20  }
0x24: {  	v20 =	vld.idx.msk [tilespmem:v6+s3+$0x0], $0xffff;
	_ =	sdelay $0x4  }
0x25: {  	[tilespmem:$0x19E60] =	vst v20  }
0x26: {  	v20 =	vld.idx.msk [tilespmem:v7+s3+$0x0], $0xffff;
	_ =	sdelay $0x4  }
0x27: {  	s15 =	simm.s32 $0x19E00;
	s29 =	simm.s32 $0x9600;
	[tilespmem:$0x19E70] =	vst v20  }
0x28: {  	[tilespmem:s29], [sflag:$0x1] =	stream.indirect.gather [hbm4b:s4+s11], $0x40, s15, s11, $0xb8;
	[tilespmem:$0x1A000] =	vst v63  }
0x29: {  	v20 =	vld.idx.msk [tilespmem:v8+s3+$0x0], $0xffff;
	_ =	sdelay $0x4  }
0x2a: {  	[tilespmem:$0x19E80] =	vst v20  }
0x2b: {  	v20 =	vld.idx.msk [tilespmem:v9+s3+$0x0], $0xffff;
	_ =	sdelay $0x4  }
0x2c: {  	[tilespmem:$0x19E90] =	vst v20  }
0x2d: {  	v20 =	vld.idx.msk [tilespmem:v10+s3+$0x0], $0xffff;
	_ =	sdelay $0x4  }
0x2e: {  	[tilespmem:$0x19EA0] =	vst v20  }
0x2f: {  	v20 =	vld.idx.msk [tilespmem:v11+s3+$0x0], $0xffff;
	_ =	sdelay $0x4  }
0x30: {  	[tilespmem:$0x19EB0] =	vst v20  }
0x31: {  	v20 =	vld.idx.msk [tilespmem:v12+s3+$0x0], $0xffff;
	_ =	sdelay $0x4  }
0x32: {  	[tilespmem:$0x19EC0] =	vst v20  }
0x33: {  	v20 =	vld.idx.msk [tilespmem:v14+s3+$0x0], $0xffff;
	_ =	sdelay $0x4  }
0x34: {  	[tilespmem:$0x19ED0] =	vst v20  }
0x35: {  	v20 =	vld.idx.msk [tilespmem:v15+s3+$0x0], $0xffff;
	_ =	sdelay $0x4  }
0x36: {  	[tilespmem:$0x19EE0] =	vst v20  }
0x37: {  	v20 =	vld.idx.msk [tilespmem:v16+s3+$0x0], $0xffff;
	_ =	sdelay $0x4  }
0x38: {  	s30 =	simm.s32 $0x19E80;
	s31 =	simm.s32 $0xB600;
	s10 =	simm.s32 $0x0;
	[tilespmem:$0x19EF0] =	vst v20  }
0x39: {  	[tilespmem:s31], [sflag:$0x2] =	stream.indirect.gather [hbm4b:s4+s11], $0x40, s30, s11, $0xb8;
	[tilespmem:$0x1A000] =	vst v63  }
.LBB2_2:
0x3a: {  	s12 =	sshll.u32 s10, $0x2  }
0x3b: {  	s14 =	sor.u32 $0x2, s12  }
0x3c: {  	v20 =	vmov s14  }
0x3d: {  	_ =	swait.ge [sflag:s16], $0x2000;
	v20 =	vand.u32 $0xFE, v20  }
0x3e: {  	p0 =	seq.s32 s10, $0x0;
	[sflag:s16] =	ssyncset.done $0x0;
	v21 =	vadd.s32 v0, v20  }
0x3f: {  	s5 =	simm.s32 @!p0 $0x7;
	[sflag:s16] =	ssyncadd.s32 $0xFFFFE000  }
0x40: {  	_ =	swait.ge @!p0 [sflag:s5], $0x2000  }
0x41: {  	[sflag:s5] =	ssyncset.done @!p0 $0x0  }
0x42: {  	s13 =	simm.s32 $0x0;
	[sflag:s5] =	ssyncadd.s32 @!p0 $0xFFFFE000  }
0x43: {  	v21 =	vld.idx.msk [tilespmem:v21+s13+$0x0], $0xffff  }
0x44: {  	v22 =	vadd.s32 v1, v20;
	_ =	sdelay $0x3  }
0x45: {  	[tilespmem:$0x19F00] =	vst v21  }
0x46: {  	v21 =	vld.idx.msk [tilespmem:v22+s13+$0x0], $0xffff  }
0x47: {  	v22 =	vadd.s32 v2, v20;
	_ =	sdelay $0x3  }
0x48: {  	[tilespmem:$0x19F10] =	vst v21  }
0x49: {  	v21 =	vld.idx.msk [tilespmem:v22+s13+$0x0], $0xffff  }
0x4a: {  	v22 =	vadd.s32 v3, v20;
	_ =	sdelay $0x3  }
0x4b: {  	[tilespmem:$0x19F20] =	vst v21  }
0x4c: {  	v21 =	vld.idx.msk [tilespmem:v22+s13+$0x0], $0xffff  }
0x4d: {  	v22 =	vadd.s32 v4, v20;
	_ =	sdelay $0x3  }
0x4e: {  	[tilespmem:$0x19F30] =	vst v21  }
0x4f: {  	v21 =	vld.idx.msk [tilespmem:v22+s13+$0x0], $0xffff  }
0x50: {  	v22 =	vadd.s32 v5, v20;
	_ =	sdelay $0x3  }
0x51: {  	[tilespmem:$0x19F40] =	vst v21  }
0x52: {  	v21 =	vld.idx.msk [tilespmem:v22+s13+$0x0], $0xffff  }
0x53: {  	v22 =	vadd.s32 v6, v20;
	_ =	sdelay $0x3  }
0x54: {  	[tilespmem:$0x19F50] =	vst v21  }
0x55: {  	v21 =	vld.idx.msk [tilespmem:v22+s13+$0x0], $0xffff  }
0x56: {  	v20 =	vadd.s32 v7, v20;
	_ =	sdelay $0x3  }
0x57: {  	[tilespmem:$0x19F60] =	vst v21  }
0x58: {  	v20 =	vld.idx.msk [tilespmem:v20+s13+$0x0], $0xffff;
	_ =	sdelay $0x3  }
0x59: {  	s7 =	sshll.u32 s10, $0x8  }
0x5a: {  	s7 =	sand.u32 $0x3FFFFF00, s7;
	[tilespmem:$0x19F70] =	vst v20  }
0x5b: {  	[tilespmem:s18], [sflag:$0x3] =	stream.indirect.gather [hbm4b:s4+s11], $0x40, s17, s11, $0xb8;
	[tilespmem:$0x1A000] =	vst v63  }
0x5c: {  	s15 =	simm.s32 $0x9620;
	v23 =	vld [tilespmem:s7+$0x6400]  }
0x5d: {  	v20 =	vmov s13;
	v21 =	vld [tilespmem:s15+$0xFFFFFFE0]  }
0x5e: {  	v28 =	vand.u32 $0x7F, v20  }
0x5f: {  	v24 =	vadd.s32 v13, v28;
	_ =	sdelay $0x1  }
0x60: {  	s30 =	simm.s32 $0x1;
	s13 =	simm.s32 $0x9660;
	v25 =	vld [tilespmem:s7+$0x6410]  }
0x61: {  	v20 =	vmov s30;
	v26 =	vld [tilespmem:s13+$0xFFFFFFE0];
	v27 =	vadd.f32 v21, v23  }
0x62: {  	v22 =	vld [tilespmem:s7+$0x6420];
	v21 =	vand.u32 $0x7F, v20  }
0x63: {  	v20 =	vld [tilespmem:s7+$0x6430];
	v29 =	vadd.s32 v13, v21;
	[tilespmem:v24+s19+$0x0] =	vst.idx.msk $0xffff, v27  }
0x64: {  	v27 =	vld [tilespmem:s15+$0xFFFFFFF0];
	_ =	sdelay $0x1  }
0x65: {  	s31 =	simm.s32 $0x2;
	s5 =	simm.s32 $0x96A0;
	v30 =	vadd.s32 v17, v28;
	v26 =	vadd.f32 v26, v23  }
0x66: {  	v31 =	vld [tilespmem:s5+$0xFFFFFFE0];
	v24 =	vmov s31  }
0x67: {  	v24 =	vand.u32 $0x7F, v24;
	[tilespmem:v29+s19+$0x0] =	vst.idx.msk $0xffff, v26  }
0x68: {  	v26 =	vadd.s32 v13, v24;
	v29 =	vld [tilespmem:s13+$0xFFFFFFF0];
	v27 =	vadd.f32 v27, v25;
	_ =	sdelay $0x1  }
0x69: {  	[tilespmem:v30+s19+$0x0] =	vst.idx.msk $0xffff, v27  }
0x6a: {  	s8 =	simm.s32 $0x3;
	s7 =	simm.s32 $0x96E0;
	v32 =	vadd.s32 v17, v21;
	v27 =	vadd.f32 v31, v23;
	v30 =	vld [tilespmem:s15+$0x0]  }
0x6b: {  	v33 =	vld [tilespmem:s7+$0xFFFFFFE0];
	v31 =	vmov s8  }
0x6c: {  	[tilespmem:v26+s19+$0x0] =	vst.idx.msk $0xffff, v27;
	v27 =	vadd.f32 v29, v25;
	v26 =	vand.u32 $0x7F, v31;
	v29 =	vadd.s32 v18, v28  }
0x6d: {  	v34 =	vadd.s32 v13, v26  }
0x6e: {  	v31 =	vld [tilespmem:s5+$0xFFFFFFF0]  }
0x6f: {  	[tilespmem:v32+s19+$0x0] =	vst.idx.msk $0xffff, v27;
	v27 =	vadd.f32 v30, v22  }
0x70: {  	s29 =	simm.s32 $0x4;
	v35 =	vadd.s32 v17, v24;
	s8 =	simm.s32 $0x9720;
	v36 =	vld [tilespmem:s13+$0x0];
	v30 =	vadd.f32 v33, v23  }
0x71: {  	v63 =	vmov s29;
	v37 =	vld [tilespmem:s8+$0xFFFFFFE0];
	[tilespmem:v29+s19+$0x0] =	vst.idx.msk $0xffff, v27  }
0x72: {  	v27 =	vand.u32 $0x7F, v63;
	[tilespmem:v34+s19+$0x0] =	vst.idx.msk $0xffff, v30;
	v30 =	vadd.s32 v18, v21;
	v29 =	vld [tilespmem:s15+$0x10]  }
0x73: {  	v31 =	vadd.f32 v31, v25;
	v32 =	vadd.s32 v13, v27  }
0x74: {  	v28 =	vadd.s32 v19, v28;
	v33 =	vld [tilespmem:s7+$0xFFFFFFF0]  }
0x75: {  	[tilespmem:v35+s19+$0x0] =	vst.idx.msk $0xffff, v31;
	v35 =	vadd.f32 v36, v22  }
0x76: {  	s29 =	simm.s32 $0x9760;
	v34 =	vadd.s32 v17, v26;
	s15 =	simm.s32 $0x5;
	v36 =	vadd.f32 v37, v23;
	v31 =	vld [tilespmem:s5+$0x0]  }
.LBB2_3:
0x77: {  	v37 =	vmov s15;
	v38 =	vld [tilespmem:s29+$0xFFFFFFE0];
	[tilespmem:v30+s19+$0x0] =	vst.idx.msk $0xffff, v35;
	v35 =	vadd.f32 v29, v20;
	p1 =	sne.s32 s15, $0x7F  }
.Ltmp0:
0x78: {  	s15 =	sadd.s32 $0x1, s15;
	v30 =	vadd.s32 v18, v24;
	v37 =	vand.u32 $0x7F, v37;
	[tilespmem:v32+s19+$0x0] =	vst.idx.msk $0xffff, v36;
	v29 =	vld [tilespmem:s13+$0x10];
	(pc) =	sbr.rel @p1 .LBB2_3-.Ltmp0, $4  }
0x79: {  	s13 =	smov.u32 s5;
	s5 =	smov.u32 s7;
	s7 =	smov.u32 s8;
	v32 =	vadd.s32 v13, v37;
	v36 =	vadd.f32 v33, v25;
	[tilespmem:v28+s19+$0x0] =	vst.idx.msk $0xffff, v35  }
0x7a: {  	s8 =	smov.u32 s29;
	v28 =	vadd.s32 v19, v21;
	v21 =	vmovc v24;
	v24 =	vmovc v26;
	v26 =	vmov v27;
	v27 =	vmov v37;
	v33 =	vld [tilespmem:s7+$0xFFFFFFF0]  }
0x7b: {  	[tilespmem:v34+s19+$0x0] =	vst.idx.msk $0xffff, v36;
	v35 =	vadd.f32 v31, v22  }
0x7c: {  	s29 =	sadd.s32 $0x40, s29;
	v34 =	vadd.s32 v17, v26;
	v36 =	vadd.f32 v38, v23;
	v31 =	vld [tilespmem:s5+$0x0]  }
0x7d: {  	_ =	sdelay $0x3  }
0x7e: {  	[tilespmem:v32+s19+$0x0] =	vst.idx.msk $0xffff, v36  }
0x7f: {  	v23 =	vld [tilespmem:s8+$0xFFFFFFF0];
	_ =	sdelay $0x1  }
0x80: {  	v53 =	vadd.s32 v17, v27;
	_ =	sdelay $0x1  }
0x81: {  	v33 =	vadd.f32 v33, v25  }
0x82: {  	v23 =	vadd.f32 v23, v25  }
0x83: {  	[tilespmem:v34+s19+$0x0] =	vst.idx.msk $0xffff, v33  }
0x84: {  	v54 =	vld [tilespmem:s7+$0x0];
	[tilespmem:v53+s19+$0x0] =	vst.idx.msk $0xffff, v23  }
0x85: {  	v55 =	vadd.s32 v18, v24;
	v32 =	vld [tilespmem:s8+$0x0]  }
0x86: {  	v56 =	vadd.s32 v18, v26  }
0x87: {  	v57 =	vadd.s32 v18, v27  }
0x88: {  	v31 =	vadd.f32 v31, v22  }
0x89: {  	[tilespmem:v30+s19+$0x0] =	vst.idx.msk $0xffff, v35;
	v25 =	vadd.f32 v54, v22  }
0x8a: {  	v30 =	vld [tilespmem:s13+$0x10];
	[tilespmem:v55+s19+$0x0] =	vst.idx.msk $0xffff, v31;
	v58 =	vadd.f32 v32, v22  }
0x8b: {  	v23 =	vld [tilespmem:s5+$0x10];
	[tilespmem:v56+s19+$0x0] =	vst.idx.msk $0xffff, v25  }
0x8c: {  	v21 =	vadd.s32 v19, v21;
	v25 =	vld [tilespmem:s7+$0x10];
	[tilespmem:v57+s19+$0x0] =	vst.idx.msk $0xffff, v58  }
0x8d: {  	v59 =	vadd.s32 v19, v24;
	v60 =	vld [tilespmem:s8+$0x10]  }
0x8e: {  	v29 =	vadd.f32 v29, v20;
	v61 =	vadd.s32 v19, v26  }
0x8f: {  	v62 =	vadd.s32 v19, v27;
	v30 =	vadd.f32 v30, v20  }
0x90: {  	s31 =	sshll.u32 s10, $0x14;
	[tilespmem:v28+s19+$0x0] =	vst.idx.msk $0xffff, v29;
	v23 =	vadd.f32 v23, v20  }
0x91: {  	[tilespmem:v21+s19+$0x0] =	vst.idx.msk $0xffff, v30;
	s5 =	sor.u32 s2, s31;
	v63 =	vadd.f32 v25, v20  }
0x92: {  	s5 =	sshrl.u32 s5, $0x3;
	[tilespmem:v59+s19+$0x0] =	vst.idx.msk $0xffff, v23;
	v20 =	vadd.f32 v60, v20  }
0x93: {  	s13 =	simm.s32 $0x11688;
	s5 =	sadd.s32 s6, s5;
	[tilespmem:v61+s19+$0x0] =	vst.idx.msk $0xffff, v63  }
0x94: {  	s15 =	sadd.s32 $0x0, s5;
	s7 =	simm.s32 $0x11600;
	s8 =	simm.s32 $0x200;
	[tilespmem:v62+s19+$0x0] =	vst.idx.msk $0xffff, v20  }
.LBB2_5:
0x95: {  	[hbm4b:s15+s3] =	stream.linear.scatter [tilespmem:s7], [sflag:$0x5], $0x80, $0x38;
	[tilespmem:$0x1A000] =	vst v63  }
0x96: {  	s15 =	smov.u32 s8;
	s7 =	smov.u32 s13;
	p1 =	sne.s32 s8, $0x7E00  }
.Ltmp1:
0x97: {  	s8 =	sadd.s32 $0x200, s8;
	(pc) =	sbr.rel @p1 .LBB2_5-.Ltmp1, $2  }
0x98: {  	_ =	sdelay $0x2  }
0x99: {  	s13 =	sadd.s32 $0x88, s13;
	s15 =	sadd.s32 s15, s5  }
0x9a: {  	s13 =	sor.u32 $0x3, s12  }
0x9b: {  	[hbm4b:s15+s3] =	stream.linear.scatter [tilespmem:s7], [sflag:$0x5], $0x80, $0x38;
	v20 =	vmov s13;
	[tilespmem:$0x1A000] =	vst v63  }
0x9c: {  	_ =	swait.ge [sflag:s20], $0x2000;
	v20 =	vand.u32 $0xFF, v20  }
0x9d: {  	[sflag:s20] =	ssyncset.done $0x0;
	v21 =	vadd.s32 v0, v20  }
0x9e: {  	s5 =	simm.s32 @!p0 $0x8;
	[sflag:s20] =	ssyncadd.s32 $0xFFFFE000  }
0x9f: {  	_ =	swait.ge @!p0 [sflag:s5], $0x2000  }
0xa0: {  	[sflag:s5] =	ssyncset.done @!p0 $0x0  }
0xa1: {  	[sflag:s5] =	ssyncadd.s32 @!p0 $0xFFFFE000;
	s5 =	simm.s32 $0x0  }
0xa2: {  	v21 =	vld.idx.msk [tilespmem:v21+s5+$0x0], $0xffff  }
0xa3: {  	v22 =	vadd.s32 v1, v20;
	_ =	sdelay $0x3  }
0xa4: {  	[tilespmem:$0x19F80] =	vst v21  }
0xa5: {  	v21 =	vld.idx.msk [tilespmem:v22+s5+$0x0], $0xffff  }
0xa6: {  	v22 =	vadd.s32 v2, v20;
	_ =	sdelay $0x3  }
0xa7: {  	[tilespmem:$0x19F90] =	vst v21  }
0xa8: {  	v21 =	vld.idx.msk [tilespmem:v22+s5+$0x0], $0xffff  }
0xa9: {  	v22 =	vadd.s32 v3, v20;
	_ =	sdelay $0x3  }
0xaa: {  	[tilespmem:$0x19FA0] =	vst v21  }
0xab: {  	v21 =	vld.idx.msk [tilespmem:v22+s5+$0x0], $0xffff  }
0xac: {  	v22 =	vadd.s32 v4, v20;
	_ =	sdelay $0x3  }
0xad: {  	[tilespmem:$0x19FB0] =	vst v21  }
0xae: {  	v21 =	vld.idx.msk [tilespmem:v22+s5+$0x0], $0xffff  }
0xaf: {  	v22 =	vadd.s32 v5, v20;
	_ =	sdelay $0x3  }
0xb0: {  	[tilespmem:$0x19FC0] =	vst v21  }
0xb1: {  	v21 =	vld.idx.msk [tilespmem:v22+s5+$0x0], $0xffff  }
0xb2: {  	v22 =	vadd.s32 v6, v20;
	_ =	sdelay $0x3  }
0xb3: {  	[tilespmem:$0x19FD0] =	vst v21  }
0xb4: {  	v21 =	vld.idx.msk [tilespmem:v22+s5+$0x0], $0xffff  }
0xb5: {  	v20 =	vadd.s32 v7, v20;
	_ =	sdelay $0x3  }
0xb6: {  	[tilespmem:$0x19FE0] =	vst v21  }
0xb7: {  	v20 =	vld.idx.msk [tilespmem:v20+s5+$0x0], $0xffff;
	_ =	sdelay $0x2  }
0xb8: {  	s15 =	sor.u32 $0x1, s12  }
0xb9: {  	s8 =	sshll.u32 s15, $0x6  }
0xba: {  	s7 =	sand.u32 $0x3FFFFFC0, s8;
	[tilespmem:$0x19FF0] =	vst v20  }
0xbb: {  	[tilespmem:s22], [sflag:$0x4] =	stream.indirect.gather [hbm4b:s4+s11], $0x40, s21, s11, $0xb8;
	[tilespmem:$0x1A000] =	vst v63  }
0xbc: {  	s30 =	simm.s32 $0xB620;
	v23 =	vld [tilespmem:s7+$0x6400]  }
0xbd: {  	v20 =	vmov s5;
	v21 =	vld [tilespmem:s30+$0xFFFFFFE0]  }
0xbe: {  	v28 =	vand.u32 $0x7F, v20  }
0xbf: {  	v24 =	vadd.s32 v13, v28;
	_ =	sdelay $0x1  }
0xc0: {  	s8 =	simm.s32 $0x1;
	s5 =	simm.s32 $0xB660;
	v25 =	vld [tilespmem:s7+$0x6410]  }
0xc1: {  	v20 =	vmov s8;
	v26 =	vld [tilespmem:s5+$0xFFFFFFE0];
	v27 =	vadd.f32 v21, v23  }
0xc2: {  	v22 =	vld [tilespmem:s7+$0x6420];
	v21 =	vand.u32 $0x7F, v20  }
0xc3: {  	v20 =	vld [tilespmem:s7+$0x6430];
	v29 =	vadd.s32 v13, v21;
	[tilespmem:v24+s23+$0x0] =	vst.idx.msk $0xffff, v27  }
0xc4: {  	v27 =	vld [tilespmem:s30+$0xFFFFFFF0];
	_ =	sdelay $0x1  }
0xc5: {  	s8 =	simm.s32 $0x2;
	v30 =	vadd.s32 v17, v28;
	v26 =	vadd.f32 v26, v23;
	s7 =	simm.s32 $0xB6A0  }
0xc6: {  	v31 =	vld [tilespmem:s7+$0xFFFFFFE0];
	v24 =	vmov s8  }
0xc7: {  	v24 =	vand.u32 $0x7F, v24;
	[tilespmem:v29+s23+$0x0] =	vst.idx.msk $0xffff, v26  }
0xc8: {  	v26 =	vadd.s32 v13, v24;
	v29 =	vld [tilespmem:s5+$0xFFFFFFF0];
	v27 =	vadd.f32 v27, v25;
	_ =	sdelay $0x1  }
0xc9: {  	[tilespmem:v30+s23+$0x0] =	vst.idx.msk $0xffff, v27  }
0xca: {  	s29 =	simm.s32 $0x3;
	v32 =	vadd.s32 v17, v21;
	s8 =	simm.s32 $0xB6E0;
	v27 =	vadd.f32 v31, v23;
	v30 =	vld [tilespmem:s30+$0x0]  }
0xcb: {  	v33 =	vld [tilespmem:s8+$0xFFFFFFE0];
	v31 =	vmov s29  }
0xcc: {  	[tilespmem:v26+s23+$0x0] =	vst.idx.msk $0xffff, v27;
	v27 =	vadd.f32 v29, v25;
	v26 =	vand.u32 $0x7F, v31;
	v29 =	vadd.s32 v18, v28  }
0xcd: {  	v34 =	vadd.s32 v13, v26  }
0xce: {  	v31 =	vld [tilespmem:s7+$0xFFFFFFF0]  }
0xcf: {  	[tilespmem:v32+s23+$0x0] =	vst.idx.msk $0xffff, v27;
	v27 =	vadd.f32 v30, v22  }
0xd0: {  	s31 =	simm.s32 $0x4;
	v35 =	vadd.s32 v17, v24;
	s29 =	simm.s32 $0xB720;
	v36 =	vld [tilespmem:s5+$0x0];
	v30 =	vadd.f32 v33, v23  }
0xd1: {  	v63 =	vmov s31;
	v37 =	vld [tilespmem:s29+$0xFFFFFFE0];
	[tilespmem:v29+s23+$0x0] =	vst.idx.msk $0xffff, v27  }
0xd2: {  	v27 =	vand.u32 $0x7F, v63;
	[tilespmem:v34+s23+$0x0] =	vst.idx.msk $0xffff, v30;
	v30 =	vadd.s32 v18, v21;
	v29 =	vld [tilespmem:s30+$0x10]  }
0xd3: {  	v31 =	vadd.f32 v31, v25;
	v32 =	vadd.s32 v13, v27  }
0xd4: {  	v28 =	vadd.s32 v19, v28;
	v33 =	vld [tilespmem:s8+$0xFFFFFFF0]  }
0xd5: {  	[tilespmem:v35+s23+$0x0] =	vst.idx.msk $0xffff, v31;
	v35 =	vadd.f32 v36, v22  }
0xd6: {  	s31 =	simm.s32 $0xB760;
	v34 =	vadd.s32 v17, v26;
	s30 =	simm.s32 $0x5;
	v36 =	vadd.f32 v37, v23;
	v31 =	vld [tilespmem:s7+$0x0]  }
.LBB2_7:
0xd7: {  	v37 =	vmov s30;
	v38 =	vld [tilespmem:s31+$0xFFFFFFE0];
	[tilespmem:v30+s23+$0x0] =	vst.idx.msk $0xffff, v35;
	v35 =	vadd.f32 v29, v20;
	p0 =	sne.s32 s30, $0x7F  }
.Ltmp2:
0xd8: {  	s30 =	sadd.s32 $0x1, s30;
	v30 =	vadd.s32 v18, v24;
	v37 =	vand.u32 $0x7F, v37;
	[tilespmem:v32+s23+$0x0] =	vst.idx.msk $0xffff, v36;
	v29 =	vld [tilespmem:s5+$0x10];
	(pc) =	sbr.rel @p0 .LBB2_7-.Ltmp2, $4  }
0xd9: {  	s5 =	smov.u32 s7;
	s7 =	smov.u32 s8;
	s8 =	smov.u32 s29;
	v32 =	vadd.s32 v13, v37;
	v36 =	vadd.f32 v33, v25;
	[tilespmem:v28+s23+$0x0] =	vst.idx.msk $0xffff, v35  }
0xda: {  	s29 =	smov.u32 s31;
	v28 =	vadd.s32 v19, v21;
	v21 =	vmovc v24;
	v24 =	vmovc v26;
	v26 =	vmov v27;
	v27 =	vmov v37;
	v33 =	vld [tilespmem:s8+$0xFFFFFFF0]  }
0xdb: {  	[tilespmem:v34+s23+$0x0] =	vst.idx.msk $0xffff, v36;
	v35 =	vadd.f32 v31, v22  }
0xdc: {  	s31 =	sadd.s32 $0x40, s31;
	v34 =	vadd.s32 v17, v26;
	v36 =	vadd.f32 v38, v23;
	v31 =	vld [tilespmem:s7+$0x0]  }
0xdd: {  	_ =	sdelay $0x3  }
0xde: {  	[tilespmem:v32+s23+$0x0] =	vst.idx.msk $0xffff, v36  }
0xdf: {  	v23 =	vld [tilespmem:s29+$0xFFFFFFF0];
	_ =	sdelay $0x1  }
0xe0: {  	v53 =	vadd.s32 v17, v27;
	_ =	sdelay $0x1  }
0xe1: {  	v33 =	vadd.f32 v33, v25  }
0xe2: {  	v23 =	vadd.f32 v23, v25  }
0xe3: {  	[tilespmem:v34+s23+$0x0] =	vst.idx.msk $0xffff, v33  }
0xe4: {  	v54 =	vld [tilespmem:s8+$0x0];
	[tilespmem:v53+s23+$0x0] =	vst.idx.msk $0xffff, v23  }
0xe5: {  	v55 =	vadd.s32 v18, v24;
	v32 =	vld [tilespmem:s29+$0x0]  }
0xe6: {  	v56 =	vadd.s32 v18, v26  }
0xe7: {  	v57 =	vadd.s32 v18, v27  }
0xe8: {  	v31 =	vadd.f32 v31, v22  }
0xe9: {  	[tilespmem:v30+s23+$0x0] =	vst.idx.msk $0xffff, v35;
	v25 =	vadd.f32 v54, v22  }
0xea: {  	v30 =	vld [tilespmem:s5+$0x10];
	[tilespmem:v55+s23+$0x0] =	vst.idx.msk $0xffff, v31;
	v58 =	vadd.f32 v32, v22  }
0xeb: {  	v23 =	vld [tilespmem:s7+$0x10];
	[tilespmem:v56+s23+$0x0] =	vst.idx.msk $0xffff, v25  }
0xec: {  	v21 =	vadd.s32 v19, v21;
	v25 =	vld [tilespmem:s8+$0x10];
	[tilespmem:v57+s23+$0x0] =	vst.idx.msk $0xffff, v58  }
0xed: {  	v59 =	vadd.s32 v19, v24;
	v60 =	vld [tilespmem:s29+$0x10]  }
0xee: {  	v29 =	vadd.f32 v29, v20;
	v61 =	vadd.s32 v19, v26  }
0xef: {  	v62 =	vadd.s32 v19, v27;
	v30 =	vadd.f32 v30, v20  }
0xf0: {  	s31 =	sshll.u32 s15, $0x12;
	[tilespmem:v28+s23+$0x0] =	vst.idx.msk $0xffff, v29;
	v23 =	vadd.f32 v23, v20  }
0xf1: {  	s5 =	sor.u32 s2, s31;
	[tilespmem:v21+s23+$0x0] =	vst.idx.msk $0xffff, v30;
	v63 =	vadd.f32 v25, v20  }
0xf2: {  	s5 =	sshrl.u32 s5, $0x3;
	[tilespmem:v59+s23+$0x0] =	vst.idx.msk $0xffff, v23;
	v20 =	vadd.f32 v60, v20  }
0xf3: {  	s15 =	simm.s32 $0x13888;
	s7 =	sadd.s32 s6, s5;
	[tilespmem:v61+s23+$0x0] =	vst.idx.msk $0xffff, v63  }
0xf4: {  	s5 =	simm.s32 $0x13800;
	s8 =	simm.s32 $0x200;
	s29 =	sadd.s32 $0x0, s7;
	[tilespmem:v62+s23+$0x0] =	vst.idx.msk $0xffff, v20  }
.LBB2_9:
0xf5: {  	[hbm4b:s29+s3] =	stream.linear.scatter [tilespmem:s5], [sflag:$0x6], $0x80, $0x38;
	[tilespmem:$0x1A000] =	vst v63  }
0xf6: {  	s29 =	smov.u32 s8;
	s5 =	smov.u32 s15;
	p0 =	sne.s32 s8, $0x7E00  }
.Ltmp3:
0xf7: {  	s8 =	sadd.s32 $0x200, s8;
	(pc) =	sbr.rel @p0 .LBB2_9-.Ltmp3, $2  }
0xf8: {  	_ =	sdelay $0x2  }
0xf9: {  	s15 =	sadd.s32 $0x88, s15;
	s29 =	sadd.s32 s29, s7  }
0xfa: {  	p0 =	seq.s32 s10, $0x31  }
0xfb: {  	s7 =	sadd.s32 @!p0 $0x4, s12;
	v20 =	vlaneseq.u32 @!p0  }
0xfc: {  	[hbm4b:s29+s3] =	stream.linear.scatter [tilespmem:s5], [sflag:$0x6], $0x80, $0x38;
	v21 =	vmov @!p0 s7;
	v20 =	vmul.u32 @!p0 $0xC8, v20;
	[tilespmem:$0x1A000] =	vst v63  }
0xfd: {  	_ =	swait.ge [sflag:s24], $0x2000;
	v21 =	vand.u32 @!p0 $0x1FC, v21  }
0xfe: {  	[sflag:s24] =	ssyncset.done $0x0;
	v22 =	vadd.s32 @!p0 v20, v21  }
0xff: {  	s5 =	simm.s32 @!p0 $0x5;
	[sflag:s24] =	ssyncadd.s32 $0xFFFFE000  }
0x100: {  	_ =	swait.ge @!p0 [sflag:s5], $0x2000  }
0x101: {  	[sflag:s5] =	ssyncset.done @!p0 $0x0  }
0x102: {  	[sflag:s5] =	ssyncadd.s32 @!p0 $0xFFFFE000;
	s5 =	simm.s32 @!p0 $0x0  }
0x103: {  	v23 =	vadd.s32 @!p0 $0xC80, v20;
	v22 =	vld.idx.msk @!p0 [tilespmem:v22+s5+$0x0], $0xffff  }
0x104: {  	v23 =	vadd.s32 @!p0 v23, v21;
	_ =	sdelay $0x3  }
0x105: {  	[tilespmem:$0x19E00] =	vst @!p0 v22  }
0x106: {  	v22 =	vld.idx.msk @!p0 [tilespmem:v23+s5+$0x0], $0xffff;
	v23 =	vadd.s32 @!p0 $0x1900, v20  }
0x107: {  	v23 =	vadd.s32 @!p0 v23, v21;
	_ =	sdelay $0x3  }
0x108: {  	[tilespmem:$0x19E10] =	vst @!p0 v22  }
0x109: {  	v22 =	vld.idx.msk @!p0 [tilespmem:v23+s5+$0x0], $0xffff;
	v23 =	vadd.s32 @!p0 $0x2580, v20  }
0x10a: {  	v23 =	vadd.s32 @!p0 v23, v21;
	_ =	sdelay $0x3  }
0x10b: {  	[tilespmem:$0x19E20] =	vst @!p0 v22  }
0x10c: {  	v22 =	vld.idx.msk @!p0 [tilespmem:v23+s5+$0x0], $0xffff;
	v23 =	vadd.s32 @!p0 $0x3200, v20  }
0x10d: {  	v23 =	vadd.s32 @!p0 v23, v21;
	_ =	sdelay $0x3  }
0x10e: {  	[tilespmem:$0x19E30] =	vst @!p0 v22  }
0x10f: {  	v22 =	vld.idx.msk @!p0 [tilespmem:v23+s5+$0x0], $0xffff;
	v23 =	vadd.s32 @!p0 $0x3E80, v20  }
0x110: {  	v23 =	vadd.s32 @!p0 v23, v21;
	_ =	sdelay $0x3  }
0x111: {  	[tilespmem:$0x19E40] =	vst @!p0 v22  }
0x112: {  	v22 =	vld.idx.msk @!p0 [tilespmem:v23+s5+$0x0], $0xffff;
	v23 =	vadd.s32 @!p0 $0x4B00, v20  }
0x113: {  	v23 =	vadd.s32 @!p0 v23, v21;
	_ =	sdelay $0x3  }
0x114: {  	[tilespmem:$0x19E50] =	vst @!p0 v22  }
0x115: {  	v20 =	vadd.s32 @!p0 $0x5780, v20;
	v22 =	vld.idx.msk @!p0 [tilespmem:v23+s5+$0x0], $0xffff  }
0x116: {  	v20 =	vadd.s32 @!p0 v20, v21;
	_ =	sdelay $0x3  }
0x117: {  	[tilespmem:$0x19E60] =	vst @!p0 v22  }
0x118: {  	v20 =	vld.idx.msk @!p0 [tilespmem:v20+s5+$0x0], $0xffff;
	_ =	sdelay $0x3  }
0x119: {  	s15 =	sshll.u32 s14, $0x6;
	s8 =	simm.s32 @!p0 $0x9600  }
0x11a: {  	s31 =	sand.u32 $0x3FFFFFC0, s15;
	s7 =	simm.s32 @!p0 $0x19E00;
	s5 =	simm.s32 @!p0 $0x80;
	[tilespmem:$0x19E70] =	vst @!p0 v20  }
0x11b: {  	[tilespmem:s8], [sflag:$0x1] =	stream.indirect.gather @!p0 [hbm4b:s4+s5], $0x40, s7, s5, $0xb8;
	[tilespmem:$0x1A000] =	vst v63  }
0x11c: {  	s29 =	simm.s32 $0xD620;
	s8 =	simm.s32 $0x0;
	v23 =	vld [tilespmem:s31+$0x6400]  }
0x11d: {  	v20 =	vmov s8;
	v21 =	vld [tilespmem:s29+$0xFFFFFFE0]  }
0x11e: {  	v28 =	vand.u32 $0x7F, v20  }
0x11f: {  	v24 =	vadd.s32 v13, v28;
	_ =	sdelay $0x1  }
0x120: {  	s15 =	simm.s32 $0x1;
	s5 =	simm.s32 $0xD660;
	v25 =	vld [tilespmem:s31+$0x6410]  }
0x121: {  	v26 =	vld [tilespmem:s5+$0xFFFFFFE0];
	v20 =	vmov s15;
	v27 =	vadd.f32 v21, v23  }
0x122: {  	v22 =	vld [tilespmem:s31+$0x6420];
	v21 =	vand.u32 $0x7F, v20  }
0x123: {  	v20 =	vld [tilespmem:s31+$0x6430];
	v29 =	vadd.s32 v13, v21;
	[tilespmem:v24+s25+$0x0] =	vst.idx.msk $0xffff, v27  }
0x124: {  	v27 =	vld [tilespmem:s29+$0xFFFFFFF0];
	_ =	sdelay $0x1  }
0x125: {  	s7 =	simm.s32 $0xD6A0;
	v30 =	vadd.s32 v17, v28;
	s31 =	simm.s32 $0x2;
	v26 =	vadd.f32 v26, v23  }
0x126: {  	v31 =	vld [tilespmem:s7+$0xFFFFFFE0];
	v24 =	vmov s31  }
0x127: {  	v24 =	vand.u32 $0x7F, v24;
	[tilespmem:v29+s25+$0x0] =	vst.idx.msk $0xffff, v26  }
0x128: {  	v26 =	vadd.s32 v13, v24;
	v29 =	vld [tilespmem:s5+$0xFFFFFFF0];
	v27 =	vadd.f32 v27, v25;
	_ =	sdelay $0x1  }
0x129: {  	[tilespmem:v30+s25+$0x0] =	vst.idx.msk $0xffff, v27  }
0x12a: {  	s8 =	simm.s32 $0xD6E0;
	s15 =	simm.s32 $0x3;
	v32 =	vadd.s32 v17, v21;
	v27 =	vadd.f32 v31, v23;
	v30 =	vld [tilespmem:s29+$0x0]  }
0x12b: {  	v33 =	vld [tilespmem:s8+$0xFFFFFFE0];
	v31 =	vmov s15  }
0x12c: {  	[tilespmem:v26+s25+$0x0] =	vst.idx.msk $0xffff, v27;
	v27 =	vadd.f32 v29, v25;
	v26 =	vand.u32 $0x7F, v31;
	v29 =	vadd.s32 v18, v28  }
0x12d: {  	v34 =	vadd.s32 v13, v26  }
0x12e: {  	v31 =	vld [tilespmem:s7+$0xFFFFFFF0]  }
0x12f: {  	[tilespmem:v32+s25+$0x0] =	vst.idx.msk $0xffff, v27;
	v27 =	vadd.f32 v30, v22  }
0x130: {  	s30 =	simm.s32 $0x4;
	v35 =	vadd.s32 v17, v24;
	s15 =	simm.s32 $0xD720;
	v36 =	vld [tilespmem:s5+$0x0];
	v30 =	vadd.f32 v33, v23  }
0x131: {  	v63 =	vmov s30;
	v37 =	vld [tilespmem:s15+$0xFFFFFFE0];
	[tilespmem:v29+s25+$0x0] =	vst.idx.msk $0xffff, v27  }
0x132: {  	v27 =	vand.u32 $0x7F, v63;
	[tilespmem:v34+s25+$0x0] =	vst.idx.msk $0xffff, v30;
	v30 =	vadd.s32 v18, v21;
	v29 =	vld [tilespmem:s29+$0x10]  }
0x133: {  	v31 =	vadd.f32 v31, v25;
	v32 =	vadd.s32 v13, v27  }
0x134: {  	v28 =	vadd.s32 v19, v28;
	v33 =	vld [tilespmem:s8+$0xFFFFFFF0]  }
0x135: {  	[tilespmem:v35+s25+$0x0] =	vst.idx.msk $0xffff, v31;
	v35 =	vadd.f32 v36, v22  }
0x136: {  	s30 =	simm.s32 $0xD760;
	v34 =	vadd.s32 v17, v26;
	s29 =	simm.s32 $0x5;
	v36 =	vadd.f32 v37, v23;
	v31 =	vld [tilespmem:s7+$0x0]  }
.LBB2_11:
0x137: {  	v37 =	vmov s29;
	v38 =	vld [tilespmem:s30+$0xFFFFFFE0];
	[tilespmem:v30+s25+$0x0] =	vst.idx.msk $0xffff, v35;
	v35 =	vadd.f32 v29, v20;
	p1 =	sne.s32 s29, $0x7F  }
.Ltmp4:
0x138: {  	s29 =	sadd.s32 $0x1, s29;
	v30 =	vadd.s32 v18, v24;
	v37 =	vand.u32 $0x7F, v37;
	[tilespmem:v32+s25+$0x0] =	vst.idx.msk $0xffff, v36;
	v29 =	vld [tilespmem:s5+$0x10];
	(pc) =	sbr.rel @p1 .LBB2_11-.Ltmp4, $4  }
0x139: {  	s5 =	smov.u32 s7;
	s7 =	smov.u32 s8;
	s8 =	smov.u32 s15;
	v32 =	vadd.s32 v13, v37;
	v36 =	vadd.f32 v33, v25;
	[tilespmem:v28+s25+$0x0] =	vst.idx.msk $0xffff, v35  }
0x13a: {  	s15 =	smov.u32 s30;
	v28 =	vadd.s32 v19, v21;
	v21 =	vmovc v24;
	v24 =	vmovc v26;
	v26 =	vmov v27;
	v27 =	vmov v37;
	v33 =	vld [tilespmem:s8+$0xFFFFFFF0]  }
0x13b: {  	[tilespmem:v34+s25+$0x0] =	vst.idx.msk $0xffff, v36;
	v35 =	vadd.f32 v31, v22  }
0x13c: {  	s30 =	sadd.s32 $0x40, s30;
	v34 =	vadd.s32 v17, v26;
	v36 =	vadd.f32 v38, v23;
	v31 =	vld [tilespmem:s7+$0x0]  }
0x13d: {  	_ =	sdelay $0x3  }
0x13e: {  	[tilespmem:v32+s25+$0x0] =	vst.idx.msk $0xffff, v36  }
0x13f: {  	v23 =	vld [tilespmem:s15+$0xFFFFFFF0];
	_ =	sdelay $0x1  }
0x140: {  	v53 =	vadd.s32 v17, v27;
	_ =	sdelay $0x1  }
0x141: {  	v33 =	vadd.f32 v33, v25  }
0x142: {  	v23 =	vadd.f32 v23, v25  }
0x143: {  	[tilespmem:v34+s25+$0x0] =	vst.idx.msk $0xffff, v33  }
0x144: {  	v54 =	vld [tilespmem:s8+$0x0];
	[tilespmem:v53+s25+$0x0] =	vst.idx.msk $0xffff, v23  }
0x145: {  	v55 =	vadd.s32 v18, v24;
	v32 =	vld [tilespmem:s15+$0x0]  }
0x146: {  	v56 =	vadd.s32 v18, v26  }
0x147: {  	v57 =	vadd.s32 v18, v27  }
0x148: {  	v31 =	vadd.f32 v31, v22  }
0x149: {  	[tilespmem:v30+s25+$0x0] =	vst.idx.msk $0xffff, v35;
	v25 =	vadd.f32 v54, v22  }
0x14a: {  	v30 =	vld [tilespmem:s5+$0x10];
	[tilespmem:v55+s25+$0x0] =	vst.idx.msk $0xffff, v31;
	v58 =	vadd.f32 v32, v22  }
0x14b: {  	v23 =	vld [tilespmem:s7+$0x10];
	[tilespmem:v56+s25+$0x0] =	vst.idx.msk $0xffff, v25  }
0x14c: {  	v21 =	vadd.s32 v19, v21;
	v25 =	vld [tilespmem:s8+$0x10];
	[tilespmem:v57+s25+$0x0] =	vst.idx.msk $0xffff, v58  }
0x14d: {  	v59 =	vadd.s32 v19, v24;
	v60 =	vld [tilespmem:s15+$0x10]  }
0x14e: {  	v29 =	vadd.f32 v29, v20;
	v61 =	vadd.s32 v19, v26  }
0x14f: {  	v62 =	vadd.s32 v19, v27;
	v30 =	vadd.f32 v30, v20  }
0x150: {  	s31 =	sshll.u32 s14, $0x12;
	[tilespmem:v28+s25+$0x0] =	vst.idx.msk $0xffff, v29;
	v23 =	vadd.f32 v23, v20  }
0x151: {  	s5 =	sor.u32 s2, s31;
	[tilespmem:v21+s25+$0x0] =	vst.idx.msk $0xffff, v30;
	v63 =	vadd.f32 v25, v20  }
0x152: {  	s5 =	sshrl.u32 s5, $0x3;
	[tilespmem:v59+s25+$0x0] =	vst.idx.msk $0xffff, v23;
	v20 =	vadd.f32 v60, v20  }
0x153: {  	s14 =	simm.s32 $0x15A88;
	s7 =	sadd.s32 s6, s5;
	[tilespmem:v61+s25+$0x0] =	vst.idx.msk $0xffff, v63  }
0x154: {  	s5 =	simm.s32 $0x15A00;
	s8 =	simm.s32 $0x200;
	s15 =	sadd.s32 $0x0, s7;
	[tilespmem:v62+s25+$0x0] =	vst.idx.msk $0xffff, v20  }
.LBB2_13:
0x155: {  	[hbm4b:s15+s3] =	stream.linear.scatter [tilespmem:s5], [sflag:$0x7], $0x80, $0x38;
	[tilespmem:$0x1A000] =	vst v63  }
0x156: {  	s15 =	smov.u32 s8;
	s5 =	smov.u32 s14;
	p1 =	sne.s32 s8, $0x7E00  }
.Ltmp5:
0x157: {  	s8 =	sadd.s32 $0x200, s8;
	(pc) =	sbr.rel @p1 .LBB2_13-.Ltmp5, $2  }
0x158: {  	_ =	sdelay $0x2  }
0x159: {  	s14 =	sadd.s32 $0x88, s14;
	s15 =	sadd.s32 s15, s7  }
0x15a: {  	s7 =	sadd.s32 @!p0 $0x5, s12;
	v20 =	vlaneseq.u32 @!p0  }
0x15b: {  	[hbm4b:s15+s3] =	stream.linear.scatter [tilespmem:s5], [sflag:$0x7], $0x80, $0x38;
	v21 =	vmov @!p0 s7;
	v20 =	vmul.u32 @!p0 $0xC8, v20;
	[tilespmem:$0x1A000] =	vst v63  }
0x15c: {  	_ =	swait.ge [sflag:s26], $0x2000;
	v21 =	vand.u32 @!p0 $0x1FD, v21  }
0x15d: {  	[sflag:s26] =	ssyncset.done $0x0;
	v22 =	vadd.s32 @!p0 v20, v21  }
0x15e: {  	s5 =	simm.s32 @!p0 $0x6;
	[sflag:s26] =	ssyncadd.s32 $0xFFFFE000  }
0x15f: {  	_ =	swait.ge @!p0 [sflag:s5], $0x2000  }
0x160: {  	[sflag:s5] =	ssyncset.done @!p0 $0x0  }
0x161: {  	[sflag:s5] =	ssyncadd.s32 @!p0 $0xFFFFE000;
	s5 =	simm.s32 @!p0 $0x0  }
0x162: {  	v23 =	vadd.s32 @!p0 $0xC80, v20;
	v22 =	vld.idx.msk @!p0 [tilespmem:v22+s5+$0x0], $0xffff  }
0x163: {  	v23 =	vadd.s32 @!p0 v23, v21;
	_ =	sdelay $0x3  }
0x164: {  	[tilespmem:$0x19E80] =	vst @!p0 v22  }
0x165: {  	v22 =	vld.idx.msk @!p0 [tilespmem:v23+s5+$0x0], $0xffff;
	v23 =	vadd.s32 @!p0 $0x1900, v20  }
0x166: {  	v23 =	vadd.s32 @!p0 v23, v21;
	_ =	sdelay $0x3  }
0x167: {  	[tilespmem:$0x19E90] =	vst @!p0 v22  }
0x168: {  	v22 =	vld.idx.msk @!p0 [tilespmem:v23+s5+$0x0], $0xffff;
	v23 =	vadd.s32 @!p0 $0x2580, v20  }
0x169: {  	v23 =	vadd.s32 @!p0 v23, v21;
	_ =	sdelay $0x3  }
0x16a: {  	[tilespmem:$0x19EA0] =	vst @!p0 v22  }
0x16b: {  	v22 =	vld.idx.msk @!p0 [tilespmem:v23+s5+$0x0], $0xffff;
	v23 =	vadd.s32 @!p0 $0x3200, v20  }
0x16c: {  	v23 =	vadd.s32 @!p0 v23, v21;
	_ =	sdelay $0x3  }
0x16d: {  	[tilespmem:$0x19EB0] =	vst @!p0 v22  }
0x16e: {  	v22 =	vld.idx.msk @!p0 [tilespmem:v23+s5+$0x0], $0xffff;
	v23 =	vadd.s32 @!p0 $0x3E80, v20  }
0x16f: {  	v23 =	vadd.s32 @!p0 v23, v21;
	_ =	sdelay $0x3  }
0x170: {  	[tilespmem:$0x19EC0] =	vst @!p0 v22  }
0x171: {  	v22 =	vld.idx.msk @!p0 [tilespmem:v23+s5+$0x0], $0xffff;
	v23 =	vadd.s32 @!p0 $0x4B00, v20  }
0x172: {  	v23 =	vadd.s32 @!p0 v23, v21;
	_ =	sdelay $0x3  }
0x173: {  	[tilespmem:$0x19ED0] =	vst @!p0 v22  }
0x174: {  	v20 =	vadd.s32 @!p0 $0x5780, v20;
	v22 =	vld.idx.msk @!p0 [tilespmem:v23+s5+$0x0], $0xffff  }
0x175: {  	v20 =	vadd.s32 @!p0 v20, v21;
	_ =	sdelay $0x3  }
0x176: {  	[tilespmem:$0x19EE0] =	vst @!p0 v22  }
0x177: {  	v20 =	vld.idx.msk @!p0 [tilespmem:v20+s5+$0x0], $0xffff;
	_ =	sdelay $0x3  }
0x178: {  	s8 =	simm.s32 @!p0 $0xB600;
	s30 =	sshll.u32 s13, $0x6  }
0x179: {  	s7 =	simm.s32 @!p0 $0x19E80;
	s31 =	sand.u32 $0x3FFFFFC0, s30;
	s5 =	simm.s32 @!p0 $0x80;
	[tilespmem:$0x19EF0] =	vst @!p0 v20  }
0x17a: {  	[tilespmem:s8], [sflag:$0x2] =	stream.indirect.gather @!p0 [hbm4b:s4+s5], $0x40, s7, s5, $0xb8;
	[tilespmem:$0x1A000] =	vst v63  }
0x17b: {  	s12 =	simm.s32 $0x0;
	s14 =	simm.s32 $0xF620;
	v23 =	vld [tilespmem:s31+$0x6400]  }
0x17c: {  	v20 =	vmov s12;
	v21 =	vld [tilespmem:s14+$0xFFFFFFE0]  }
0x17d: {  	v28 =	vand.u32 $0x7F, v20  }
0x17e: {  	v24 =	vadd.s32 v13, v28;
	_ =	sdelay $0x1  }
0x17f: {  	s15 =	simm.s32 $0x1;
	s5 =	simm.s32 $0xF660;
	v25 =	vld [tilespmem:s31+$0x6410]  }
0x180: {  	v20 =	vmov s15;
	v26 =	vld [tilespmem:s5+$0xFFFFFFE0];
	v27 =	vadd.f32 v21, v23  }
0x181: {  	v22 =	vld [tilespmem:s31+$0x6420];
	v21 =	vand.u32 $0x7F, v20  }
0x182: {  	v20 =	vld [tilespmem:s31+$0x6430];
	v29 =	vadd.s32 v13, v21;
	[tilespmem:v24+s28+$0x0] =	vst.idx.msk $0xffff, v27  }
0x183: {  	v27 =	vld [tilespmem:s14+$0xFFFFFFF0];
	_ =	sdelay $0x1  }
0x184: {  	s29 =	simm.s32 $0x2;
	s7 =	simm.s32 $0xF6A0;
	v30 =	vadd.s32 v17, v28;
	v26 =	vadd.f32 v26, v23  }
0x185: {  	v31 =	vld [tilespmem:s7+$0xFFFFFFE0];
	v24 =	vmov s29  }
0x186: {  	v24 =	vand.u32 $0x7F, v24;
	[tilespmem:v29+s28+$0x0] =	vst.idx.msk $0xffff, v26  }
0x187: {  	v26 =	vadd.s32 v13, v24;
	v29 =	vld [tilespmem:s5+$0xFFFFFFF0];
	v27 =	vadd.f32 v27, v25;
	_ =	sdelay $0x1  }
0x188: {  	[tilespmem:v30+s28+$0x0] =	vst.idx.msk $0xffff, v27  }
0x189: {  	s30 =	simm.s32 $0x3;
	s8 =	simm.s32 $0xF6E0;
	v32 =	vadd.s32 v17, v21;
	v27 =	vadd.f32 v31, v23;
	v30 =	vld [tilespmem:s14+$0x0]  }
0x18a: {  	v33 =	vld [tilespmem:s8+$0xFFFFFFE0];
	v31 =	vmov s30  }
0x18b: {  	[tilespmem:v26+s28+$0x0] =	vst.idx.msk $0xffff, v27;
	v27 =	vadd.f32 v29, v25;
	v26 =	vand.u32 $0x7F, v31;
	v29 =	vadd.s32 v18, v28  }
0x18c: {  	v34 =	vadd.s32 v13, v26  }
0x18d: {  	v31 =	vld [tilespmem:s7+$0xFFFFFFF0]  }
0x18e: {  	[tilespmem:v32+s28+$0x0] =	vst.idx.msk $0xffff, v27;
	v27 =	vadd.f32 v30, v22  }
0x18f: {  	s12 =	simm.s32 $0xF720;
	s31 =	simm.s32 $0x4;
	v35 =	vadd.s32 v17, v24;
	v36 =	vld [tilespmem:s5+$0x0];
	v30 =	vadd.f32 v33, v23  }
0x190: {  	v37 =	vld [tilespmem:s12+$0xFFFFFFE0];
	v63 =	vmov s31;
	[tilespmem:v29+s28+$0x0] =	vst.idx.msk $0xffff, v27  }
0x191: {  	v27 =	vand.u32 $0x7F, v63;
	[tilespmem:v34+s28+$0x0] =	vst.idx.msk $0xffff, v30;
	v30 =	vadd.s32 v18, v21;
	v29 =	vld [tilespmem:s14+$0x10]  }
0x192: {  	v31 =	vadd.f32 v31, v25;
	v32 =	vadd.s32 v13, v27  }
0x193: {  	v28 =	vadd.s32 v19, v28;
	v33 =	vld [tilespmem:s8+$0xFFFFFFF0]  }
0x194: {  	[tilespmem:v35+s28+$0x0] =	vst.idx.msk $0xffff, v31;
	v35 =	vadd.f32 v36, v22  }
0x195: {  	s15 =	simm.s32 $0xF760;
	v34 =	vadd.s32 v17, v26;
	s14 =	simm.s32 $0x5;
	v36 =	vadd.f32 v37, v23;
	v31 =	vld [tilespmem:s7+$0x0]  }
.LBB2_15:
0x196: {  	v37 =	vmov s14;
	v38 =	vld [tilespmem:s15+$0xFFFFFFE0];
	[tilespmem:v30+s28+$0x0] =	vst.idx.msk $0xffff, v35;
	v35 =	vadd.f32 v29, v20;
	p0 =	sne.s32 s14, $0x7F  }
.Ltmp6:
0x197: {  	s14 =	sadd.s32 $0x1, s14;
	v30 =	vadd.s32 v18, v24;
	v37 =	vand.u32 $0x7F, v37;
	[tilespmem:v32+s28+$0x0] =	vst.idx.msk $0xffff, v36;
	v29 =	vld [tilespmem:s5+$0x10];
	(pc) =	sbr.rel @p0 .LBB2_15-.Ltmp6, $4  }
0x198: {  	s5 =	smov.u32 s7;
	s7 =	smov.u32 s8;
	s8 =	smov.u32 s12;
	v32 =	vadd.s32 v13, v37;
	v36 =	vadd.f32 v33, v25;
	[tilespmem:v28+s28+$0x0] =	vst.idx.msk $0xffff, v35  }
0x199: {  	s12 =	smov.u32 s15;
	v28 =	vadd.s32 v19, v21;
	v21 =	vmovc v24;
	v24 =	vmovc v26;
	v26 =	vmov v27;
	v27 =	vmov v37;
	v33 =	vld [tilespmem:s8+$0xFFFFFFF0]  }
0x19a: {  	[tilespmem:v34+s28+$0x0] =	vst.idx.msk $0xffff, v36;
	v35 =	vadd.f32 v31, v22  }
0x19b: {  	s15 =	sadd.s32 $0x40, s15;
	v34 =	vadd.s32 v17, v26;
	v36 =	vadd.f32 v38, v23;
	v31 =	vld [tilespmem:s7+$0x0]  }
0x19c: {  	_ =	sdelay $0x3  }
0x19d: {  	[tilespmem:v32+s28+$0x0] =	vst.idx.msk $0xffff, v36  }
0x19e: {  	v23 =	vld [tilespmem:s12+$0xFFFFFFF0];
	_ =	sdelay $0x1  }
0x19f: {  	v53 =	vadd.s32 v17, v27;
	_ =	sdelay $0x1  }
0x1a0: {  	v33 =	vadd.f32 v33, v25  }
0x1a1: {  	v23 =	vadd.f32 v23, v25  }
0x1a2: {  	[tilespmem:v34+s28+$0x0] =	vst.idx.msk $0xffff, v33  }
0x1a3: {  	v54 =	vld [tilespmem:s8+$0x0];
	[tilespmem:v53+s28+$0x0] =	vst.idx.msk $0xffff, v23  }
0x1a4: {  	v55 =	vadd.s32 v18, v24;
	v32 =	vld [tilespmem:s12+$0x0]  }
0x1a5: {  	v56 =	vadd.s32 v18, v26  }
0x1a6: {  	v57 =	vadd.s32 v18, v27  }
0x1a7: {  	v31 =	vadd.f32 v31, v22  }
0x1a8: {  	[tilespmem:v30+s28+$0x0] =	vst.idx.msk $0xffff, v35;
	v25 =	vadd.f32 v54, v22  }
0x1a9: {  	v30 =	vld [tilespmem:s5+$0x10];
	[tilespmem:v55+s28+$0x0] =	vst.idx.msk $0xffff, v31;
	v58 =	vadd.f32 v32, v22  }
0x1aa: {  	v23 =	vld [tilespmem:s7+$0x10];
	[tilespmem:v56+s28+$0x0] =	vst.idx.msk $0xffff, v25  }
0x1ab: {  	v21 =	vadd.s32 v19, v21;
	v25 =	vld [tilespmem:s8+$0x10];
	[tilespmem:v57+s28+$0x0] =	vst.idx.msk $0xffff, v58  }
0x1ac: {  	v59 =	vadd.s32 v19, v24;
	v60 =	vld [tilespmem:s12+$0x10]  }
0x1ad: {  	v29 =	vadd.f32 v29, v20;
	v61 =	vadd.s32 v19, v26  }
0x1ae: {  	v62 =	vadd.s32 v19, v27;
	s31 =	sshll.u32 s13, $0x12;
	v30 =	vadd.f32 v30, v20  }
0x1af: {  	s5 =	sor.u32 s2, s31;
	[tilespmem:v28+s28+$0x0] =	vst.idx.msk $0xffff, v29;
	v23 =	vadd.f32 v23, v20  }
0x1b0: {  	s5 =	sshrl.u32 s5, $0x3;
	[tilespmem:v21+s28+$0x0] =	vst.idx.msk $0xffff, v30;
	v63 =	vadd.f32 v25, v20  }
0x1b1: {  	s5 =	sadd.s32 s6, s5;
	[tilespmem:v59+s28+$0x0] =	vst.idx.msk $0xffff, v23;
	v20 =	vadd.f32 v60, v20  }
0x1b2: {  	s13 =	sadd.s32 $0x0, s5;
	[tilespmem:v61+s28+$0x0] =	vst.idx.msk $0xffff, v63  }
0x1b3: {  	s7 =	simm.s32 $0x17C00;
	s8 =	simm.s32 $0x200;
	s12 =	simm.s32 $0x17C88;
	[tilespmem:v62+s28+$0x0] =	vst.idx.msk $0xffff, v20  }
.LBB2_17:
0x1b4: {  	[hbm4b:s13+s3] =	stream.linear.scatter [tilespmem:s7], [sflag:$0x8], $0x80, $0x38;
	[tilespmem:$0x1A000] =	vst v63  }
0x1b5: {  	s13 =	smov.u32 s8;
	s7 =	smov.u32 s12;
	p0 =	sne.s32 s8, $0x7E00  }
.Ltmp7:
0x1b6: {  	s8 =	sadd.s32 $0x200, s8;
	(pc) =	sbr.rel @p0 .LBB2_17-.Ltmp7, $2  }
0x1b7: {  	_ =	sdelay $0x2  }
0x1b8: {  	s12 =	sadd.s32 $0x88, s12;
	s13 =	sadd.s32 s13, s5  }
0x1b9: {  	s10 =	sadd.s32 $0x1, s10  }
0x1ba: {  	p0 =	sne.s32 s10, $0x32  }
.Ltmp8:
0x1bb: {  	_ = 	snop;
	(pc) =	sbr.rel @p0 .LBB2_2-.Ltmp8, $2  }
0x1bc: {  	_ =	sdelay $0x2  }
0x1bd: {  	[hbm4b:s13+s3] =	stream.linear.scatter [tilespmem:s7], [sflag:$0x8], $0x80, $0x38;
	[tilespmem:$0x1A000] =	vst v63  }
0x1be: {  	s5 =	simm.s32 $0x5  }
0x1bf: {  	_ =	swait.ge [sflag:s5], $0x2000  }
0x1c0: {  	[sflag:s5] =	ssyncset.done $0x0  }
0x1c1: {  	s29 =	simm.s32 $0x6;
	[sflag:s5] =	ssyncadd.s32 $0xFFFFE000  }
0x1c2: {  	_ =	swait.ge [sflag:s29], $0x2000  }
0x1c3: {  	[sflag:s29] =	ssyncset.done $0x0  }
0x1c4: {  	s30 =	simm.s32 $0x7;
	[sflag:s29] =	ssyncadd.s32 $0xFFFFE000  }
0x1c5: {  	_ =	swait.ge [sflag:s30], $0x2000  }
0x1c6: {  	[sflag:s30] =	ssyncset.done $0x0  }
0x1c7: {  	[sflag:s30] =	ssyncadd.s32 $0xFFFFE000  }
0x1c8: {  	_ =	swait.ge [sflag:s1], $0x2000  }
0x1c9: {  	s0 =	sadd.s32 $0x1, s0;
	s31 =	rddreg [dreg:$0x4]  }
0x1ca: {  	p0 =	sne.s32 s0, s31  }
.Ltmp9:
0x1cb: {  	_ = 	snop;
	(pc) =	sbr.rel @p0 .LBB2_1-.Ltmp9, $3  }
0x1cc: {  	_ =	sdelay $0x1  }
0x1cd: {  	[sflag:s1] =	ssyncset.done $0x0  }
0x1ce: {  	[sflag:s1] =	ssyncadd.s32 $0xFFFFE000  }
0x1cf: {  	_ =	sfence.sel $0x180000  }
0x1d0: {  	[bflag:$0x0] =	sbarrier.arrive $0xFFFF  }
0x1d1: {  	_ =	strace $0x90000047  }
0x1d2: {  	s0 =	stileid.u32;
	[bflag:$0x2] =	sbarrier.arrive $0xFFFF  }
0x1d3: {  	p0 =	sne.s32 s0, $0x0;
	s0 =	rddreg [dreg:$0x1]  }
0x1d4: {  	s0 =	sadd.s32 @!p0 $0x100000, s0  }
0x1d5: {  	[sflag:s0] =	ssyncadd.tile.s32 @!p0 $0x1;
	_ =	shalt  }
.Lfunc_end2:
_tile_overlayer_lowered:
.L_overlay_start_2:
0x1d6: {  	(tag) =	ssettag $0x2  }
0x1d7: {  	s0 =	rddreg [dreg:$0x0];
	s2 =	stileid.u32  }
0x1d8: {  	s1 =	rddreg [dreg:$0x1];
	p0 =	sne.s32 s2, $0x0  }
0x1d9: {  	s3 =	rddreg [dreg:$0x2];
	[bflag:$0x3] =	sbarrier.arrive $0xFFFF;
	s2 =	simm.s32 @!p0 $0x1C09  }
0x1da: {  	[timem:s3], [sflag:s2] =	dma.local @!p0 [hbm:s0], s1  }
0x1db: {  	s0 =	simm.s32 @!p0 $0x9  }
0x1dc: {  	_ =	swait.ge @!p0 [sflag:s0], s1  }
0x1dd: {  	s1 =	ssub.s32 @!p0 $0x0, s1;
	[sflag:s0] =	ssyncset.done @!p0 $0x0  }
0x1de: {  	[sflag:s0] =	ssyncadd.s32 @!p0 s1  }
0x1df: {  	[bflag:$0x3] =	sbarrier.arrive $0xFFFF  }
0x1e0: {  	_ =	shalt  }

</sc_bundles>
